<compile_context>
chip_gen: v7x
topology: tpu7x:2x2x1
jax: 0.10.2.dev20260603
libtpu: 0.0.44.dev20260713+nightly
codegen_flags: <defaults>
</compile_context>

<pallas_src>
import dataclasses
import functools

import jax
import jax.numpy as jnp
from jax import lax
from jax.experimental import pallas as pl
from jax.experimental.pallas import tpu as pltpu
from jax.experimental.pallas import tpu_sc as plsc

N_NODES = 10000
N_EDGES = 320000
D_IN = 128
D_HID = 64

NC = 2
NS = 16
NW = NC * NS
CHUNK = 128
STEPS = 80
E_PER_TILE = STEPS * CHUNK
PAD_PER_TILE = E_PER_TILE - N_EDGES // NW
N_ACC = N_NODES + PAD_PER_TILE
ZROWS = N_ACC // NS
VSTEPS = E_PER_TILE // 16

BLK = ZROWS
GRID = N_ACC // BLK

_MESH = plsc.VectorSubcoreMesh(core_axis_name="c", subcore_axis_name="s")
_SC_PARAMS = pltpu.CompilerParams(use_tc_tiling_on_sc=False)
_SC_REG_PARAMS = _SC_PARAMS
if "needs_layout_passes" in pltpu.CompilerParams.__dataclass_fields__:
    _SC_REG_PARAMS = dataclasses.replace(_SC_PARAMS, needs_layout_passes=False)


def _sc_segment_sum_rows(table, src3d, dst3d, zrows, degp):

    @functools.partial(
        pl.kernel,
        out_type=jax.ShapeDtypeStruct((NC, NS, ZROWS, D_HID), jnp.float32),
        mesh=_MESH,
        compiler_params=_SC_PARAMS,
        scratch_types=[
            pltpu.VMEM((STEPS, CHUNK), jnp.int32),
            pltpu.VMEM((STEPS, CHUNK), jnp.int32),
            pltpu.VMEM((CHUNK, D_HID), jnp.float32),
            pltpu.VMEM((CHUNK, D_HID), jnp.float32),
            pltpu.VMEM_SHARED((N_ACC, D_HID), jnp.float32),
            pltpu.SemaphoreType.DMA,
            pltpu.SemaphoreType.DMA,
        ],
    )
    def k(table_hbm, src_hbm, dst_hbm, z_hbm, deg_hbm, out_hbm,
          src_v, dst_v, rows0, rows1, acc_sh, sem0, sem1):
        del deg_hbm
        c = lax.axis_index("c")
        s = lax.axis_index("s")
        wid = c * NS + s
        pltpu.sync_copy(z_hbm, acc_sh.at[pl.ds(s * ZROWS, ZROWS)])
        pltpu.sync_copy(src_hbm.at[wid], src_v)
        pltpu.sync_copy(dst_hbm.at[wid], dst_v)
        plsc.subcore_barrier()

        pltpu.async_copy(table_hbm.at[src_v.at[0]], rows0, sem0)

        @pl.loop(0, STEPS, step=2)
        def _(i):
            pltpu.async_copy(table_hbm.at[src_v.at[i + 1]], rows1, sem1)
            pltpu.make_async_copy(table_hbm.at[src_v.at[i]], rows0, sem0).wait()
            pltpu.sync_copy(rows0, acc_sh.at[dst_v.at[i]], add=True)

            @pl.when(i + 2 < STEPS)
            def _():
                pltpu.async_copy(table_hbm.at[src_v.at[i + 2]], rows0, sem0)

            pltpu.make_async_copy(table_hbm.at[src_v.at[i + 1]], rows1, sem1).wait()
            pltpu.sync_copy(rows1, acc_sh.at[dst_v.at[i + 1]], add=True)

        plsc.subcore_barrier()
        pltpu.sync_copy(acc_sh.at[pl.ds(s * ZROWS, ZROWS)], out_hbm.at[c, s])

    return k(table, src3d, dst3d, zrows, degp)


def _sc_degree(dstf, zcol):

    @functools.partial(
        pl.kernel,
        out_type=jax.ShapeDtypeStruct((NC, NS, N_ACC), jnp.float32),
        mesh=_MESH,
        compiler_params=_SC_REG_PARAMS,
        scratch_types=[
            pltpu.VMEM((E_PER_TILE,), jnp.int32),
            pltpu.VMEM((N_ACC,), jnp.float32),
        ],
    )
    def k(dst_hbm, z_hbm, out_hbm, dst_v, acc_v):
        c = lax.axis_index("c")
        s = lax.axis_index("s")
        wid = c * NS + s
        pltpu.sync_copy(z_hbm, acc_v)
        pltpu.sync_copy(dst_hbm.at[wid], dst_v)
        one16 = jnp.ones((16,), jnp.float32)

        @pl.loop(0, VSTEPS)
        def _(i):
            didx = dst_v[pl.ds(i * 16, 16)]
            plsc.addupdate_scatter(acc_v, [didx], one16)

        pltpu.sync_copy(acc_v, out_hbm.at[c, s])

    return k(dstf, zcol)


def _sc_segment_sum_scalar(colrow, srcf, dstf, zcol):

    @functools.partial(
        pl.kernel,
        out_type=jax.ShapeDtypeStruct((NC, NS, N_ACC), jnp.float32),
        mesh=_MESH,
        compiler_params=_SC_REG_PARAMS,
        scratch_types=[
            pltpu.VMEM((N_ACC,), jnp.float32),
            pltpu.VMEM((E_PER_TILE,), jnp.int32),
            pltpu.VMEM((E_PER_TILE,), jnp.int32),
            pltpu.VMEM((N_ACC,), jnp.float32),
        ],
    )
    def k(col_hbm, src_hbm, dst_hbm, z_hbm, out_hbm, col_v, src_v, dst_v, acc_v):
        c = lax.axis_index("c")
        s = lax.axis_index("s")
        wid = c * NS + s
        pltpu.sync_copy(z_hbm, acc_v)
        pltpu.sync_copy(col_hbm.at[0], col_v)
        pltpu.sync_copy(src_hbm.at[wid], src_v)
        pltpu.sync_copy(dst_hbm.at[wid], dst_v)

        @pl.loop(0, VSTEPS)
        def _(i):
            sidx = src_v[pl.ds(i * 16, 16)]
            didx = dst_v[pl.ds(i * 16, 16)]
            vals = plsc.load_gather(col_v, [sidx])
            plsc.addupdate_scatter(acc_v, [didx], vals)

        pltpu.sync_copy(acc_v, out_hbm.at[c, s])

    return k(colrow, srcf, dstf, zcol)


def _tc_project1(xpad, wcat):
    def body(x_ref, w_ref, p_ref, r_ref):
        xw = jnp.dot(x_ref[...], w_ref[...], preferred_element_type=jnp.float32)
        p_ref[...] = xw[:, :D_HID]
        r_ref[...] = xw[:, D_HID:]

    return pl.pallas_call(
        body,
        grid=(GRID,),
        in_specs=[
            pl.BlockSpec((BLK, D_IN), lambda i: (i, 0)),
            pl.BlockSpec((D_IN, 2 * D_HID), lambda i: (0, 0)),
        ],
        out_specs=[
            pl.BlockSpec((BLK, D_HID), lambda i: (i, 0)),
            pl.BlockSpec((BLK, D_HID), lambda i: (i, 0)),
        ],
        out_shape=[
            jax.ShapeDtypeStruct((N_ACC, D_HID), jnp.float32),
            jax.ShapeDtypeStruct((N_ACC, D_HID), jnp.float32),
        ],
    )(xpad, wcat)


def _tc_middle(agg, degp, r1, b1row, w2cat):
    def body(a_ref, d_ref, r1_ref, b1_ref, w_ref, q_ref, r2_ref):
        a = a_ref[0, 0] + a_ref[1, 0]
        deg = jnp.sum(d_ref[...], axis=(0, 1))
        degc = jnp.maximum(deg, 1.0).reshape(BLK, 1)
        h = jnp.maximum(a / degc + b1_ref[...] + r1_ref[...], 0.0)
        qr = jnp.dot(h, w_ref[...], preferred_element_type=jnp.float32)
        q_ref[...] = qr[:, 0].reshape(1, BLK)
        r2_ref[...] = qr[:, 1].reshape(1, BLK)

    return pl.pallas_call(
        body,
        grid=(GRID,),
        in_specs=[
            pl.BlockSpec((NC, 1, BLK, D_HID), lambda i: (0, i, 0, 0)),
            pl.BlockSpec((NC, NS, BLK), lambda i: (0, 0, i)),
            pl.BlockSpec((BLK, D_HID), lambda i: (i, 0)),
            pl.BlockSpec((1, D_HID), lambda i: (0, 0)),
            pl.BlockSpec((D_HID, 2), lambda i: (0, 0)),
        ],
        out_specs=[
            pl.BlockSpec((1, BLK), lambda i: (0, i)),
            pl.BlockSpec((1, BLK), lambda i: (0, i)),
        ],
        out_shape=[
            jax.ShapeDtypeStruct((1, N_ACC), jnp.float32),
            jax.ShapeDtypeStruct((1, N_ACC), jnp.float32),
        ],
    )(agg, degp, r1, b1row, w2cat)


def _tc_final(agg2, degp, r2row, b2row):
    def body(a_ref, d_ref, r2_ref, b2_ref, o_ref):
        ssum = jnp.sum(a_ref[...], axis=(0, 1))
        deg = jnp.sum(d_ref[...], axis=(0, 1))
        o = ssum / jnp.maximum(deg, 1.0) + b2_ref[0, 0] + r2_ref[0, :]
        o_ref[...] = o.reshape(BLK, 1)

    return pl.pallas_call(
        body,
        grid=(GRID,),
        in_specs=[
            pl.BlockSpec((NC, NS, BLK), lambda i: (0, 0, i)),
            pl.BlockSpec((NC, NS, BLK), lambda i: (0, 0, i)),
            pl.BlockSpec((1, BLK), lambda i: (0, i)),
            pl.BlockSpec((1, 1), lambda i: (0, 0)),
        ],
        out_specs=pl.BlockSpec((BLK, 1), lambda i: (i, 0)),
        out_shape=jax.ShapeDtypeStruct((N_NODES, 1), jnp.float32),
    )(agg2, degp, r2row, b2row)


def kernel(x, edge_index, W1_l, b1, W1_r, W2_l, b2, W2_r):
    src = edge_index[0].astype(jnp.int32).reshape(NW, N_EDGES // NW)
    dst = edge_index[1].astype(jnp.int32).reshape(NW, N_EDGES // NW)
    pad_src = jnp.broadcast_to(jnp.arange(PAD_PER_TILE, dtype=jnp.int32),
                               (NW, PAD_PER_TILE))
    srcf = jnp.concatenate([src, pad_src], axis=1)
    pad_dst = jnp.broadcast_to(
        N_NODES + jnp.arange(PAD_PER_TILE, dtype=jnp.int32), (NW, PAD_PER_TILE))
    dstf = jnp.concatenate([dst, pad_dst], axis=1)
    src3d = srcf.reshape(NW, STEPS, CHUNK)
    dst3d = dstf.reshape(NW, STEPS, CHUNK)

    xpad = jnp.pad(x, ((0, N_ACC - N_NODES), (0, 0)))
    wcat = jnp.concatenate([W1_l, W1_r], axis=1)
    w2cat = jnp.concatenate([W2_l, W2_r], axis=1)
    zcol = jnp.zeros((N_ACC,), jnp.float32)

    p_tab, r1 = _tc_project1(xpad, wcat)
    degp = _sc_degree(dstf, zcol)
    agg1 = _sc_segment_sum_rows(p_tab, src3d, dst3d,
                                jnp.zeros((ZROWS, D_HID), jnp.float32), degp)
    q_row, r2_row = _tc_middle(agg1, degp, r1, b1.reshape(1, D_HID), w2cat)
    agg2 = _sc_segment_sum_scalar(q_row, srcf, dstf, zcol)
    return _tc_final(agg2, degp, r2_row, b2.reshape(1, 1))

# --- scband reference (transcript-rebuilt; emitter-appended) ---
"""Pipeline reference for scband-graph-sage-76347338653792 (READ-ONLY COPY).

The authoritative reference and input builder live on the scoring server;
editing this copy changes nothing except your own understanding.
"""

import jax, jax.numpy as jnp
import numpy as np

N_NODES = 10000
N_EDGES = 320000
D_IN = 128
D_HID = 64
D_OUT = 1


def setup_inputs(seed: int = 0) -> dict:
    key = jax.random.key(seed)
    ks = jax.random.split(key, 9)
    x = jax.random.normal(ks[0], (N_NODES, D_IN), dtype=jnp.float32)
    edge_index = jax.random.randint(ks[1], (2, N_EDGES), 0, N_NODES, dtype=jnp.int64)
    # SAGEConv layer 1 params (PyG-style: lin_l applied to aggregated neighbors, lin_r to root)
    s1 = 1.0 / np.sqrt(D_IN)
    W1_l = jax.random.uniform(ks[2], (D_IN, D_HID), dtype=jnp.float32, minval=-s1, maxval=s1)
    b1 = jnp.zeros((D_HID,), dtype=jnp.float32)
    W1_r = jax.random.uniform(ks[3], (D_IN, D_HID), dtype=jnp.float32, minval=-s1, maxval=s1)
    # SAGEConv layer 2 params
    s2 = 1.0 / np.sqrt(D_HID)
    W2_l = jax.random.uniform(ks[4], (D_HID, D_OUT), dtype=jnp.float32, minval=-s2, maxval=s2)
    b2 = jnp.zeros((D_OUT,), dtype=jnp.float32)
    W2_r = jax.random.uniform(ks[5], (D_HID, D_OUT), dtype=jnp.float32, minval=-s2, maxval=s2)
    return {"x": x, "edge_index": edge_index, "W1_l": W1_l, "b1": b1, "W1_r": W1_r,
            "W2_l": W2_l, "b2": b2, "W2_r": W2_r}


def _sage_conv(x, src, dst, W_l, b, W_r):
    # mean aggregation of source-node features onto destination nodes
    msgs = jnp.take(x, src, axis=0)
    agg = jax.ops.segment_sum(msgs, dst, num_segments=N_NODES)
    deg = jax.ops.segment_sum(jnp.ones((src.shape[0],), dtype=x.dtype), dst, num_segments=N_NODES)
    mean = agg / jnp.clip(deg, 1.0, None)[:, None]
    return mean @ W_l + b + x @ W_r


def reference(x, edge_index, W1_l, b1, W1_r, W2_l, b2, W2_r):
    src = edge_index[0]
    dst = edge_index[1]
    h = _sage_conv(x, src, dst, W1_l, b1, W1_r)
    h = jax.nn.relu(h)
    out = _sage_conv(h, src, dst, W2_l, b2, W2_r)
    return out

if __name__ == "__main__":
    import jax
    _d = setup_inputs()
    print(jax.jit(kernel)(*tuple(_d.values())))

</pallas_src>

<mosaic_0001>
#map = affine_map<(d0, d1) -> (0, 0)>
#map1 = affine_map<(d0, d1) -> (0)>
#map2 = affine_map<(d0, d1) -> (0, 0, 0)>
module attributes {stable_mosaic.version = 14 : i64} {
  func.func @k(%arg0: i32, %arg1: i32, %arg2: memref<1x10240xf32, #tpu.memory_space<hbm>>, %arg3: memref<32x10240xi32, #tpu.memory_space<hbm>>, %arg4: memref<32x10240xi32, #tpu.memory_space<hbm>>, %arg5: memref<10240xf32, #tpu.memory_space<hbm>>, %arg6: memref<2x16x10240xf32, #tpu.memory_space<hbm>>, %arg7: memref<10240xf32, #tpu.memory_space<vmem>>, %arg8: memref<10240xi32, #tpu.memory_space<vmem>>, %arg9: memref<10240xi32, #tpu.memory_space<vmem>>, %arg10: memref<10240xf32, #tpu.memory_space<vmem>>) attributes {dimension_semantics = [#tpu.dimension_semantics<core_parallel>, #tpu.dimension_semantics<subcore_parallel>], iteration_bounds = array<i64: 2, 16>, scalar_prefetch = 0 : i64, scratch_operands = 4 : i64, tpu.core_type = #tpu.core_type<sc_vector_subcore>, window_params = [{transform_indices = #map}, {transform_indices = #map}, {transform_indices = #map}, {transform_indices = #map1}, {transform_indices = #map2}]} {
    %mul3A = arith.constant 16 : i32
    %mul3A_0 = arith.muli %arg0, %mul3A : i32
    %add3A = arith.addi %mul3A_0, %arg1 : i32
    "tpu.region"() ({
      %run_scoped3A_5 = tpu.sem_alloc : memref<!tpu.dma_semaphore, #tpu.memory_space<semaphore_mem>>
      tpu.enqueue_dma source(%arg5 : memref<10240xf32, #tpu.memory_space<hbm>>) target(%arg10 : memref<10240xf32, #tpu.memory_space<vmem>>) target_semaphore(%run_scoped3A_5 : memref<!tpu.dma_semaphore, #tpu.memory_space<semaphore_mem>>)
      tpu.wait_dma2 semaphore(%run_scoped3A_5 : memref<!tpu.dma_semaphore, #tpu.memory_space<semaphore_mem>>) src(%arg5 : memref<10240xf32, #tpu.memory_space<hbm>>) dst(%arg10 : memref<10240xf32, #tpu.memory_space<vmem>>)
      tpu.yield
    }) : () -> ()
    %run_scoped3A = arith.constant 0 : i32
    "tpu.region"() ({
      %run_scoped3A_5 = tpu.sem_alloc : memref<!tpu.dma_semaphore, #tpu.memory_space<semaphore_mem>>
      %dma_start3A = arith.constant 0 : i32
      %dma_start3A_6 = tpu.memref_slice %arg2[%run_scoped3A, %dma_start3A] : memref<1x10240xf32, #tpu.memory_space<hbm>> -> memref<1x10240xf32, #tpu.memory_space<hbm>>
      %dma_start3A_7 = tpu.memref_squeeze %dma_start3A_6 : memref<1x10240xf32, #tpu.memory_space<hbm>> -> memref<10240xf32, #tpu.memory_space<hbm>>
      %dma_start3A_8 = arith.constant 0 : i32
      %dma_start3A_9 = tpu.memref_slice %arg2[%run_scoped3A, %dma_start3A_8] : memref<1x10240xf32, #tpu.memory_space<hbm>> -> memref<1x10240xf32, #tpu.memory_space<hbm>>
      %dma_start3A_10 = tpu.memref_squeeze %dma_start3A_9 : memref<1x10240xf32, #tpu.memory_space<hbm>> -> memref<10240xf32, #tpu.memory_space<hbm>>
      tpu.enqueue_dma source(%dma_start3A_10 : memref<10240xf32, #tpu.memory_space<hbm>>) target(%arg7 : memref<10240xf32, #tpu.memory_space<vmem>>) target_semaphore(%run_scoped3A_5 : memref<!tpu.dma_semaphore, #tpu.memory_space<semaphore_mem>>)
      %dma_wait3A = arith.constant 0 : i32
      %dma_wait3A_11 = tpu.memref_slice %arg2[%run_scoped3A, %dma_wait3A] : memref<1x10240xf32, #tpu.memory_space<hbm>> -> memref<1x10240xf32, #tpu.memory_space<hbm>>
      %dma_wait3A_12 = tpu.memref_squeeze %dma_wait3A_11 : memref<1x10240xf32, #tpu.memory_space<hbm>> -> memref<10240xf32, #tpu.memory_space<hbm>>
      %dma_wait3A_13 = arith.constant 0 : i32
      %dma_wait3A_14 = tpu.memref_slice %arg2[%run_scoped3A, %dma_wait3A_13] : memref<1x10240xf32, #tpu.memory_space<hbm>> -> memref<1x10240xf32, #tpu.memory_space<hbm>>
      %dma_wait3A_15 = tpu.memref_squeeze %dma_wait3A_14 : memref<1x10240xf32, #tpu.memory_space<hbm>> -> memref<10240xf32, #tpu.memory_space<hbm>>
      tpu.wait_dma2 semaphore(%run_scoped3A_5 : memref<!tpu.dma_semaphore, #tpu.memory_space<semaphore_mem>>) src(%dma_wait3A_15 : memref<10240xf32, #tpu.memory_space<hbm>>) dst(%arg7 : memref<10240xf32, #tpu.memory_space<vmem>>)
      tpu.yield
    }) : () -> ()
    "tpu.region"() ({
      %run_scoped3A_5 = tpu.sem_alloc : memref<!tpu.dma_semaphore, #tpu.memory_space<semaphore_mem>>
      %dma_start3A = arith.constant 0 : i32
      %dma_start3A_6 = tpu.memref_slice %arg3[%add3A, %dma_start3A] : memref<32x10240xi32, #tpu.memory_space<hbm>> -> memref<1x10240xi32, #tpu.memory_space<hbm>>
      %dma_start3A_7 = tpu.memref_squeeze %dma_start3A_6 : memref<1x10240xi32, #tpu.memory_space<hbm>> -> memref<10240xi32, #tpu.memory_space<hbm>>
      %dma_start3A_8 = arith.constant 0 : i32
      %dma_start3A_9 = tpu.memref_slice %arg3[%add3A, %dma_start3A_8] : memref<32x10240xi32, #tpu.memory_space<hbm>> -> memref<1x10240xi32, #tpu.memory_space<hbm>>
      %dma_start3A_10 = tpu.memref_squeeze %dma_start3A_9 : memref<1x10240xi32, #tpu.memory_space<hbm>> -> memref<10240xi32, #tpu.memory_space<hbm>>
      tpu.enqueue_dma source(%dma_start3A_10 : memref<10240xi32, #tpu.memory_space<hbm>>) target(%arg8 : memref<10240xi32, #tpu.memory_space<vmem>>) target_semaphore(%run_scoped3A_5 : memref<!tpu.dma_semaphore, #tpu.memory_space<semaphore_mem>>)
      %dma_wait3A = arith.constant 0 : i32
      %dma_wait3A_11 = tpu.memref_slice %arg3[%add3A, %dma_wait3A] : memref<32x10240xi32, #tpu.memory_space<hbm>> -> memref<1x10240xi32, #tpu.memory_space<hbm>>
      %dma_wait3A_12 = tpu.memref_squeeze %dma_wait3A_11 : memref<1x10240xi32, #tpu.memory_space<hbm>> -> memref<10240xi32, #tpu.memory_space<hbm>>
      %dma_wait3A_13 = arith.constant 0 : i32
      %dma_wait3A_14 = tpu.memref_slice %arg3[%add3A, %dma_wait3A_13] : memref<32x10240xi32, #tpu.memory_space<hbm>> -> memref<1x10240xi32, #tpu.memory_space<hbm>>
      %dma_wait3A_15 = tpu.memref_squeeze %dma_wait3A_14 : memref<1x10240xi32, #tpu.memory_space<hbm>> -> memref<10240xi32, #tpu.memory_space<hbm>>
      tpu.wait_dma2 semaphore(%run_scoped3A_5 : memref<!tpu.dma_semaphore, #tpu.memory_space<semaphore_mem>>) src(%dma_wait3A_15 : memref<10240xi32, #tpu.memory_space<hbm>>) dst(%arg8 : memref<10240xi32, #tpu.memory_space<vmem>>)
      tpu.yield
    }) : () -> ()
    "tpu.region"() ({
      %run_scoped3A_5 = tpu.sem_alloc : memref<!tpu.dma_semaphore, #tpu.memory_space<semaphore_mem>>
      %dma_start3A = arith.constant 0 : i32
      %dma_start3A_6 = tpu.memref_slice %arg4[%add3A, %dma_start3A] : memref<32x10240xi32, #tpu.memory_space<hbm>> -> memref<1x10240xi32, #tpu.memory_space<hbm>>
      %dma_start3A_7 = tpu.memref_squeeze %dma_start3A_6 : memref<1x10240xi32, #tpu.memory_space<hbm>> -> memref<10240xi32, #tpu.memory_space<hbm>>
      %dma_start3A_8 = arith.constant 0 : i32
      %dma_start3A_9 = tpu.memref_slice %arg4[%add3A, %dma_start3A_8] : memref<32x10240xi32, #tpu.memory_space<hbm>> -> memref<1x10240xi32, #tpu.memory_space<hbm>>
      %dma_start3A_10 = tpu.memref_squeeze %dma_start3A_9 : memref<1x10240xi32, #tpu.memory_space<hbm>> -> memref<10240xi32, #tpu.memory_space<hbm>>
      tpu.enqueue_dma source(%dma_start3A_10 : memref<10240xi32, #tpu.memory_space<hbm>>) target(%arg9 : memref<10240xi32, #tpu.memory_space<vmem>>) target_semaphore(%run_scoped3A_5 : memref<!tpu.dma_semaphore, #tpu.memory_space<semaphore_mem>>)
      %dma_wait3A = arith.constant 0 : i32
      %dma_wait3A_11 = tpu.memref_slice %arg4[%add3A, %dma_wait3A] : memref<32x10240xi32, #tpu.memory_space<hbm>> -> memref<1x10240xi32, #tpu.memory_space<hbm>>
      %dma_wait3A_12 = tpu.memref_squeeze %dma_wait3A_11 : memref<1x10240xi32, #tpu.memory_space<hbm>> -> memref<10240xi32, #tpu.memory_space<hbm>>
      %dma_wait3A_13 = arith.constant 0 : i32
      %dma_wait3A_14 = tpu.memref_slice %arg4[%add3A, %dma_wait3A_13] : memref<32x10240xi32, #tpu.memory_space<hbm>> -> memref<1x10240xi32, #tpu.memory_space<hbm>>
      %dma_wait3A_15 = tpu.memref_squeeze %dma_wait3A_14 : memref<1x10240xi32, #tpu.memory_space<hbm>> -> memref<10240xi32, #tpu.memory_space<hbm>>
      tpu.wait_dma2 semaphore(%run_scoped3A_5 : memref<!tpu.dma_semaphore, #tpu.memory_space<semaphore_mem>>) src(%dma_wait3A_15 : memref<10240xi32, #tpu.memory_space<hbm>>) dst(%arg9 : memref<10240xi32, #tpu.memory_space<vmem>>)
      tpu.yield
    }) : () -> ()
    %scan3A = arith.constant 0 : i32
    %scan3A_1 = arith.constant 640 : i32
    %scan3A_2 = arith.addi %scan3A, %scan3A_1 : i32
    %scan3A_3 = arith.constant 1 : i32
    scf.for %scan3A_5 = %scan3A to %scan3A_2 step %scan3A_3  : i32 {
      %mul3A_6 = arith.constant 1 : i32
      %mul3A_7 = arith.muli %scan3A_5, %mul3A_6 : i32
      %add3A_8 = arith.constant 0 : i32
      %add3A_9 = arith.addi %add3A_8, %mul3A_7 : i32
      %mul3A_10 = arith.constant 16 : i32
      %mul3A_11 = arith.muli %add3A_9, %mul3A_10 : i32
      %get3A = arith.index_cast %mul3A_11 : i32 to index
      %get3A_12 = tpu.vector_load %arg8[%get3A] {strides = array<i32>} : memref<10240xi32, #tpu.memory_space<vmem>>, vector<16xi32>,
      %mul3A_13 = arith.constant 16 : i32
      %mul3A_14 = arith.muli %add3A_9, %mul3A_13 : i32
      %get3A_15 = arith.index_cast %mul3A_14 : i32 to index
      %get3A_16 = tpu.vector_load %arg9[%get3A_15] {strides = array<i32>} : memref<10240xi32, #tpu.memory_space<vmem>>, vector<16xi32>,
      %gather3A = tpu.vector_load_idx %arg7[%get3A_12] : memref<10240xf32, #tpu.memory_space<vmem>>[vector<16xi32>], vector<16xf32>,
      tpu.vector_store_idx %arg10[%get3A_16], %gather3A {add = true} : memref<10240xf32, #tpu.memory_space<vmem>>[vector<16xi32>], vector<16xf32>,
    }
    %scan3A_4 = arith.constant 640 : i32
    "tpu.region"() ({
      %run_scoped3A_5 = tpu.sem_alloc : memref<!tpu.dma_semaphore, #tpu.memory_space<semaphore_mem>>
      %dma_start3A = arith.constant 0 : i32
      %dma_start3A_6 = tpu.memref_slice %arg6[%arg0, %arg1, %dma_start3A] : memref<2x16x10240xf32, #tpu.memory_space<hbm>> -> memref<1x1x10240xf32, #tpu.memory_space<hbm>>
      %dma_start3A_7 = tpu.memref_squeeze %dma_start3A_6 : memref<1x1x10240xf32, #tpu.memory_space<hbm>> -> memref<10240xf32, #tpu.memory_space<hbm>>
      %dma_start3A_8 = arith.constant 0 : i32
      %dma_start3A_9 = tpu.memref_slice %arg6[%arg0, %arg1, %dma_start3A_8] : memref<2x16x10240xf32, #tpu.memory_space<hbm>> -> memref<1x1x10240xf32, #tpu.memory_space<hbm>>
      %dma_start3A_10 = tpu.memref_squeeze %dma_start3A_9 : memref<1x1x10240xf32, #tpu.memory_space<hbm>> -> memref<10240xf32, #tpu.memory_space<hbm>>
      tpu.enqueue_dma source(%arg10 : memref<10240xf32, #tpu.memory_space<vmem>>) target(%dma_start3A_10 : memref<10240xf32, #tpu.memory_space<hbm>>) target_semaphore(%run_scoped3A_5 : memref<!tpu.dma_semaphore, #tpu.memory_space<semaphore_mem>>)
      %dma_wait3A = arith.constant 0 : i32
      %dma_wait3A_11 = tpu.memref_slice %arg6[%arg0, %arg1, %dma_wait3A] : memref<2x16x10240xf32, #tpu.memory_space<hbm>> -> memref<1x1x10240xf32, #tpu.memory_space<hbm>>
      %dma_wait3A_12 = tpu.memref_squeeze %dma_wait3A_11 : memref<1x1x10240xf32, #tpu.memory_space<hbm>> -> memref<10240xf32, #tpu.memory_space<hbm>>
      %dma_wait3A_13 = arith.constant 0 : i32
      %dma_wait3A_14 = tpu.memref_slice %arg6[%arg0, %arg1, %dma_wait3A_13] : memref<2x16x10240xf32, #tpu.memory_space<hbm>> -> memref<1x1x10240xf32, #tpu.memory_space<hbm>>
      %dma_wait3A_15 = tpu.memref_squeeze %dma_wait3A_14 : memref<1x1x10240xf32, #tpu.memory_space<hbm>> -> memref<10240xf32, #tpu.memory_space<hbm>>
      tpu.wait_dma2 semaphore(%run_scoped3A_5 : memref<!tpu.dma_semaphore, #tpu.memory_space<semaphore_mem>>) src(%arg10 : memref<10240xf32, #tpu.memory_space<vmem>>) dst(%dma_wait3A_15 : memref<10240xf32, #tpu.memory_space<hbm>>)
      tpu.yield
    }) : () -> ()
    return
  }
}

#map = affine_map<(d0, d1) -> (0, 0)>
#map1 = affine_map<(d0, d1) -> (0)>
#map2 = affine_map<(d0, d1) -> (0, 0, 0)>
module attributes {stable_mosaic.version = 14 : i64} {
  func.func @k(%arg0: i32, %arg1: i32, %arg2: memref<32x10240xi32, #tpu.memory_space<hbm>>, %arg3: memref<10240xf32, #tpu.memory_space<hbm>>, %arg4: memref<2x16x10240xf32, #tpu.memory_space<hbm>>, %arg5: memref<10240xi32, #tpu.memory_space<vmem>>, %arg6: memref<10240xf32, #tpu.memory_space<vmem>>) attributes {dimension_semantics = [#tpu.dimension_semantics<core_parallel>, #tpu.dimension_semantics<subcore_parallel>], iteration_bounds = array<i64: 2, 16>, scalar_prefetch = 0 : i64, scratch_operands = 2 : i64, tpu.core_type = #tpu.core_type<sc_vector_subcore>, window_params = [{transform_indices = #map}, {transform_indices = #map1}, {transform_indices = #map2}]} {
    %mul3A = arith.constant 16 : i32
    %mul3A_0 = arith.muli %arg0, %mul3A : i32
    %add3A = arith.addi %mul3A_0, %arg1 : i32
    "tpu.region"() ({
      %run_scoped3A = tpu.sem_alloc : memref<!tpu.dma_semaphore, #tpu.memory_space<semaphore_mem>>
      tpu.enqueue_dma source(%arg3 : memref<10240xf32, #tpu.memory_space<hbm>>) target(%arg6 : memref<10240xf32, #tpu.memory_space<vmem>>) target_semaphore(%run_scoped3A : memref<!tpu.dma_semaphore, #tpu.memory_space<semaphore_mem>>)
      tpu.wait_dma2 semaphore(%run_scoped3A : memref<!tpu.dma_semaphore, #tpu.memory_space<semaphore_mem>>) src(%arg3 : memref<10240xf32, #tpu.memory_space<hbm>>) dst(%arg6 : memref<10240xf32, #tpu.memory_space<vmem>>)
      tpu.yield
    }) : () -> ()
    "tpu.region"() ({
      %run_scoped3A = tpu.sem_alloc : memref<!tpu.dma_semaphore, #tpu.memory_space<semaphore_mem>>
      %dma_start3A = arith.constant 0 : i32
      %dma_start3A_6 = tpu.memref_slice %arg2[%add3A, %dma_start3A] : memref<32x10240xi32, #tpu.memory_space<hbm>> -> memref<1x10240xi32, #tpu.memory_space<hbm>>
      %dma_start3A_7 = tpu.memref_squeeze %dma_start3A_6 : memref<1x10240xi32, #tpu.memory_space<hbm>> -> memref<10240xi32, #tpu.memory_space<hbm>>
      %dma_start3A_8 = arith.constant 0 : i32
      %dma_start3A_9 = tpu.memref_slice %arg2[%add3A, %dma_start3A_8] : memref<32x10240xi32, #tpu.memory_space<hbm>> -> memref<1x10240xi32, #tpu.memory_space<hbm>>
      %dma_start3A_10 = tpu.memref_squeeze %dma_start3A_9 : memref<1x10240xi32, #tpu.memory_space<hbm>> -> memref<10240xi32, #tpu.memory_space<hbm>>
      tpu.enqueue_dma source(%dma_start3A_10 : memref<10240xi32, #tpu.memory_space<hbm>>) target(%arg5 : memref<10240xi32, #tpu.memory_space<vmem>>) target_semaphore(%run_scoped3A : memref<!tpu.dma_semaphore, #tpu.memory_space<semaphore_mem>>)
      %dma_wait3A = arith.constant 0 : i32
      %dma_wait3A_11 = tpu.memref_slice %arg2[%add3A, %dma_wait3A] : memref<32x10240xi32, #tpu.memory_space<hbm>> -> memref<1x10240xi32, #tpu.memory_space<hbm>>
      %dma_wait3A_12 = tpu.memref_squeeze %dma_wait3A_11 : memref<1x10240xi32, #tpu.memory_space<hbm>> -> memref<10240xi32, #tpu.memory_space<hbm>>
      %dma_wait3A_13 = arith.constant 0 : i32
      %dma_wait3A_14 = tpu.memref_slice %arg2[%add3A, %dma_wait3A_13] : memref<32x10240xi32, #tpu.memory_space<hbm>> -> memref<1x10240xi32, #tpu.memory_space<hbm>>
      %dma_wait3A_15 = tpu.memref_squeeze %dma_wait3A_14 : memref<1x10240xi32, #tpu.memory_space<hbm>> -> memref<10240xi32, #tpu.memory_space<hbm>>
      tpu.wait_dma2 semaphore(%run_scoped3A : memref<!tpu.dma_semaphore, #tpu.memory_space<semaphore_mem>>) src(%dma_wait3A_15 : memref<10240xi32, #tpu.memory_space<hbm>>) dst(%arg5 : memref<10240xi32, #tpu.memory_space<vmem>>)
      tpu.yield
    }) : () -> ()
    %broadcast_in_dim3A = arith.constant 1.000000e+00 : f32
    %broadcast_in_dim3A_1 = vector.broadcast %broadcast_in_dim3A : f32 to vector<16xf32>
    %scan3A = arith.constant 0 : i32
    %scan3A_2 = arith.constant 640 : i32
    %scan3A_3 = arith.addi %scan3A, %scan3A_2 : i32
    %scan3A_4 = arith.constant 1 : i32
    scf.for %scan3A_6 = %scan3A to %scan3A_3 step %scan3A_4  : i32 {
      %mul3A_7 = arith.constant 1 : i32
      %mul3A_8 = arith.muli %scan3A_6, %mul3A_7 : i32
      %add3A_9 = arith.constant 0 : i32
      %add3A_10 = arith.addi %add3A_9, %mul3A_8 : i32
      %mul3A_11 = arith.constant 16 : i32
      %mul3A_12 = arith.muli %add3A_10, %mul3A_11 : i32
      %get3A = arith.index_cast %mul3A_12 : i32 to index
      %get3A_13 = tpu.vector_load %arg5[%get3A] {strides = array<i32>} : memref<10240xi32, #tpu.memory_space<vmem>>, vector<16xi32>,
      tpu.vector_store_idx %arg6[%get3A_13], %broadcast_in_dim3A_1 {add = true} : memref<10240xf32, #tpu.memory_space<vmem>>[vector<16xi32>], vector<16xf32>,
    }
    %scan3A_5 = arith.constant 640 : i32
    "tpu.region"() ({
      %run_scoped3A = tpu.sem_alloc : memref<!tpu.dma_semaphore, #tpu.memory_space<semaphore_mem>>
      %dma_start3A = arith.constant 0 : i32
      %dma_start3A_6 = tpu.memref_slice %arg4[%arg0, %arg1, %dma_start3A] : memref<2x16x10240xf32, #tpu.memory_space<hbm>> -> memref<1x1x10240xf32, #tpu.memory_space<hbm>>
      %dma_start3A_7 = tpu.memref_squeeze %dma_start3A_6 : memref<1x1x10240xf32, #tpu.memory_space<hbm>> -> memref<10240xf32, #tpu.memory_space<hbm>>
      %dma_start3A_8 = arith.constant 0 : i32
      %dma_start3A_9 = tpu.memref_slice %arg4[%arg0, %arg1, %dma_start3A_8] : memref<2x16x10240xf32, #tpu.memory_space<hbm>> -> memref<1x1x10240xf32, #tpu.memory_space<hbm>>
      %dma_start3A_10 = tpu.memref_squeeze %dma_start3A_9 : memref<1x1x10240xf32, #tpu.memory_space<hbm>> -> memref<10240xf32, #tpu.memory_space<hbm>>
      tpu.enqueue_dma source(%arg6 : memref<10240xf32, #tpu.memory_space<vmem>>) target(%dma_start3A_10 : memref<10240xf32, #tpu.memory_space<hbm>>) target_semaphore(%run_scoped3A : memref<!tpu.dma_semaphore, #tpu.memory_space<semaphore_mem>>)
      %dma_wait3A = arith.constant 0 : i32
      %dma_wait3A_11 = tpu.memref_slice %arg4[%arg0, %arg1, %dma_wait3A] : memref<2x16x10240xf32, #tpu.memory_space<hbm>> -> memref<1x1x10240xf32, #tpu.memory_space<hbm>>
      %dma_wait3A_12 = tpu.memref_squeeze %dma_wait3A_11 : memref<1x1x10240xf32, #tpu.memory_space<hbm>> -> memref<10240xf32, #tpu.memory_space<hbm>>
      %dma_wait3A_13 = arith.constant 0 : i32
      %dma_wait3A_14 = tpu.memref_slice %arg4[%arg0, %arg1, %dma_wait3A_13] : memref<2x16x10240xf32, #tpu.memory_space<hbm>> -> memref<1x1x10240xf32, #tpu.memory_space<hbm>>
      %dma_wait3A_15 = tpu.memref_squeeze %dma_wait3A_14 : memref<1x1x10240xf32, #tpu.memory_space<hbm>> -> memref<10240xf32, #tpu.memory_space<hbm>>
      tpu.wait_dma2 semaphore(%run_scoped3A : memref<!tpu.dma_semaphore, #tpu.memory_space<semaphore_mem>>) src(%arg6 : memref<10240xf32, #tpu.memory_space<vmem>>) dst(%dma_wait3A_15 : memref<10240xf32, #tpu.memory_space<hbm>>)
      tpu.yield
    }) : () -> ()
    return
  }
}

#map = affine_map<(d0, d1) -> (0, 0)>
#map1 = affine_map<(d0, d1) -> (0, 0, 0)>
#map2 = affine_map<(d0, d1) -> (0, 0, 0, 0)>
module attributes {stable_mosaic.version = 14 : i64} {
  func.func @k(%arg0: i32, %arg1: i32, %arg2: memref<10240x64xf32, #tpu.memory_space<hbm>>, %arg3: memref<32x80x128xi32, #tpu.memory_space<hbm>>, %arg4: memref<32x80x128xi32, #tpu.memory_space<hbm>>, %arg5: memref<640x64xf32, #tpu.memory_space<hbm>>, %arg6: memref<2x16x10240xf32, #tpu.memory_space<hbm>>, %arg7: memref<2x16x640x64xf32, #tpu.memory_space<hbm>>, %arg8: memref<80x128xi32, #tpu.memory_space<vmem>>, %arg9: memref<80x128xi32, #tpu.memory_space<vmem>>, %arg10: memref<128x64xf32, #tpu.memory_space<vmem>>, %arg11: memref<128x64xf32, #tpu.memory_space<vmem>>, %arg12: memref<10240x64xf32, #tpu.memory_space<vmem_shared>>, %arg13: memref<!tpu.dma_semaphore, #tpu.memory_space<semaphore_mem>>, %arg14: memref<!tpu.dma_semaphore, #tpu.memory_space<semaphore_mem>>) attributes {dimension_semantics = [#tpu.dimension_semantics<core_parallel>, #tpu.dimension_semantics<subcore_parallel>], iteration_bounds = array<i64: 2, 16>, scalar_prefetch = 0 : i64, scratch_operands = 7 : i64, tpu.core_type = #tpu.core_type<sc_vector_subcore>, window_params = [{transform_indices = #map}, {transform_indices = #map1}, {transform_indices = #map1}, {transform_indices = #map}, {transform_indices = #map1}, {transform_indices = #map2}]} {
    %mul3A = arith.constant 16 : i32
    %mul3A_0 = arith.muli %arg0, %mul3A : i32
    %add3A = arith.addi %mul3A_0, %arg1 : i32
    %mul3A_1 = arith.constant 640 : i32
    %mul3A_2 = arith.muli %arg1, %mul3A_1 : i32
    "tpu.region"() ({
      %run_scoped3A = tpu.sem_alloc : memref<!tpu.dma_semaphore, #tpu.memory_space<semaphore_mem>>
      %dma_start3A_16 = arith.constant 0 : i32
      %dma_start3A_17 = tpu.memref_slice %arg12[%mul3A_2, %dma_start3A_16] : memref<10240x64xf32, #tpu.memory_space<vmem_shared>> -> memref<640x64xf32, #tpu.memory_space<vmem_shared>>
      tpu.enqueue_dma source(%arg5 : memref<640x64xf32, #tpu.memory_space<hbm>>) target(%dma_start3A_17 : memref<640x64xf32, #tpu.memory_space<vmem_shared>>) target_semaphore(%run_scoped3A : memref<!tpu.dma_semaphore, #tpu.memory_space<semaphore_mem>>)
      %dma_wait3A = arith.constant 0 : i32
      %dma_wait3A_18 = tpu.memref_slice %arg12[%mul3A_2, %dma_wait3A] : memref<10240x64xf32, #tpu.memory_space<vmem_shared>> -> memref<640x64xf32, #tpu.memory_space<vmem_shared>>
      tpu.wait_dma2 semaphore(%run_scoped3A : memref<!tpu.dma_semaphore, #tpu.memory_space<semaphore_mem>>) src(%arg5 : memref<640x64xf32, #tpu.memory_space<hbm>>) dst(%dma_wait3A_18 : memref<640x64xf32, #tpu.memory_space<vmem_shared>>)
      tpu.yield
    }) : () -> ()
    "tpu.region"() ({
      %run_scoped3A = tpu.sem_alloc : memref<!tpu.dma_semaphore, #tpu.memory_space<semaphore_mem>>
      %dma_start3A_16 = arith.constant 0 : i32
      %dma_start3A_17 = arith.constant 0 : i32
      %dma_start3A_18 = tpu.memref_slice %arg3[%add3A, %dma_start3A_16, %dma_start3A_17] : memref<32x80x128xi32, #tpu.memory_space<hbm>> -> memref<1x80x128xi32, #tpu.memory_space<hbm>>
      %dma_start3A_19 = tpu.memref_squeeze %dma_start3A_18 : memref<1x80x128xi32, #tpu.memory_space<hbm>> -> memref<80x128xi32, #tpu.memory_space<hbm>>
      %dma_start3A_20 = arith.constant 0 : i32
      %dma_start3A_21 = arith.constant 0 : i32
      %dma_start3A_22 = tpu.memref_slice %arg3[%add3A, %dma_start3A_20, %dma_start3A_21] : memref<32x80x128xi32, #tpu.memory_space<hbm>> -> memref<1x80x128xi32, #tpu.memory_space<hbm>>
      %dma_start3A_23 = tpu.memref_squeeze %dma_start3A_22 : memref<1x80x128xi32, #tpu.memory_space<hbm>> -> memref<80x128xi32, #tpu.memory_space<hbm>>
      tpu.enqueue_dma source(%dma_start3A_23 : memref<80x128xi32, #tpu.memory_space<hbm>>) target(%arg8 : memref<80x128xi32, #tpu.memory_space<vmem>>) target_semaphore(%run_scoped3A : memref<!tpu.dma_semaphore, #tpu.memory_space<semaphore_mem>>)
      %dma_wait3A = arith.constant 0 : i32
      %dma_wait3A_24 = arith.constant 0 : i32
      %dma_wait3A_25 = tpu.memref_slice %arg3[%add3A, %dma_wait3A, %dma_wait3A_24] : memref<32x80x128xi32, #tpu.memory_space<hbm>> -> memref<1x80x128xi32, #tpu.memory_space<hbm>>
      %dma_wait3A_26 = tpu.memref_squeeze %dma_wait3A_25 : memref<1x80x128xi32, #tpu.memory_space<hbm>> -> memref<80x128xi32, #tpu.memory_space<hbm>>
      %dma_wait3A_27 = arith.constant 0 : i32
      %dma_wait3A_28 = arith.constant 0 : i32
      %dma_wait3A_29 = tpu.memref_slice %arg3[%add3A, %dma_wait3A_27, %dma_wait3A_28] : memref<32x80x128xi32, #tpu.memory_space<hbm>> -> memref<1x80x128xi32, #tpu.memory_space<hbm>>
      %dma_wait3A_30 = tpu.memref_squeeze %dma_wait3A_29 : memref<1x80x128xi32, #tpu.memory_space<hbm>> -> memref<80x128xi32, #tpu.memory_space<hbm>>
      tpu.wait_dma2 semaphore(%run_scoped3A : memref<!tpu.dma_semaphore, #tpu.memory_space<semaphore_mem>>) src(%dma_wait3A_30 : memref<80x128xi32, #tpu.memory_space<hbm>>) dst(%arg8 : memref<80x128xi32, #tpu.memory_space<vmem>>)
      tpu.yield
    }) : () -> ()
    "tpu.region"() ({
      %run_scoped3A = tpu.sem_alloc : memref<!tpu.dma_semaphore, #tpu.memory_space<semaphore_mem>>
      %dma_start3A_16 = arith.constant 0 : i32
      %dma_start3A_17 = arith.constant 0 : i32
      %dma_start3A_18 = tpu.memref_slice %arg4[%add3A, %dma_start3A_16, %dma_start3A_17] : memref<32x80x128xi32, #tpu.memory_space<hbm>> -> memref<1x80x128xi32, #tpu.memory_space<hbm>>
      %dma_start3A_19 = tpu.memref_squeeze %dma_start3A_18 : memref<1x80x128xi32, #tpu.memory_space<hbm>> -> memref<80x128xi32, #tpu.memory_space<hbm>>
      %dma_start3A_20 = arith.constant 0 : i32
      %dma_start3A_21 = arith.constant 0 : i32
      %dma_start3A_22 = tpu.memref_slice %arg4[%add3A, %dma_start3A_20, %dma_start3A_21] : memref<32x80x128xi32, #tpu.memory_space<hbm>> -> memref<1x80x128xi32, #tpu.memory_space<hbm>>
      %dma_start3A_23 = tpu.memref_squeeze %dma_start3A_22 : memref<1x80x128xi32, #tpu.memory_space<hbm>> -> memref<80x128xi32, #tpu.memory_space<hbm>>
      tpu.enqueue_dma source(%dma_start3A_23 : memref<80x128xi32, #tpu.memory_space<hbm>>) target(%arg9 : memref<80x128xi32, #tpu.memory_space<vmem>>) target_semaphore(%run_scoped3A : memref<!tpu.dma_semaphore, #tpu.memory_space<semaphore_mem>>)
      %dma_wait3A = arith.constant 0 : i32
      %dma_wait3A_24 = arith.constant 0 : i32
      %dma_wait3A_25 = tpu.memref_slice %arg4[%add3A, %dma_wait3A, %dma_wait3A_24] : memref<32x80x128xi32, #tpu.memory_space<hbm>> -> memref<1x80x128xi32, #tpu.memory_space<hbm>>
      %dma_wait3A_26 = tpu.memref_squeeze %dma_wait3A_25 : memref<1x80x128xi32, #tpu.memory_space<hbm>> -> memref<80x128xi32, #tpu.memory_space<hbm>>
      %dma_wait3A_27 = arith.constant 0 : i32
      %dma_wait3A_28 = arith.constant 0 : i32
      %dma_wait3A_29 = tpu.memref_slice %arg4[%add3A, %dma_wait3A_27, %dma_wait3A_28] : memref<32x80x128xi32, #tpu.memory_space<hbm>> -> memref<1x80x128xi32, #tpu.memory_space<hbm>>
      %dma_wait3A_30 = tpu.memref_squeeze %dma_wait3A_29 : memref<1x80x128xi32, #tpu.memory_space<hbm>> -> memref<80x128xi32, #tpu.memory_space<hbm>>
      tpu.wait_dma2 semaphore(%run_scoped3A : memref<!tpu.dma_semaphore, #tpu.memory_space<semaphore_mem>>) src(%dma_wait3A_30 : memref<80x128xi32, #tpu.memory_space<hbm>>) dst(%arg9 : memref<80x128xi32, #tpu.memory_space<vmem>>)
      tpu.yield
    }) : () -> ()
    %barrier3A = arith.constant 0 : index
    tpu.barrier barrier_id(%barrier3A)
    %dma_start3A = arith.constant 0 : i32
    %dma_start3A_3 = arith.constant 0 : i32
    %dma_start3A_4 = tpu.memref_slice %arg8[%dma_start3A, %dma_start3A_3] : memref<80x128xi32, #tpu.memory_space<vmem>> -> memref<1x128xi32, #tpu.memory_space<vmem>>
    %dma_start3A_5 = tpu.memref_squeeze %dma_start3A_4 : memref<1x128xi32, #tpu.memory_space<vmem>> -> memref<128xi32, #tpu.memory_space<vmem>>
    %dma_start3A_6 = arith.constant 0 : i32
    %dma_start3A_7 = arith.constant 0 : i32
    %dma_start3A_8 = tpu.memref_slice %arg2[%dma_start3A_6, %dma_start3A_7] : memref<10240x64xf32, #tpu.memory_space<hbm>> -> memref<10240x64xf32, #tpu.memory_space<hbm>>
    tpu.enqueue_indirect_dma source(%dma_start3A_8 : memref<10240x64xf32, #tpu.memory_space<hbm>>) target(%arg10 : memref<128x64xf32, #tpu.memory_space<vmem>>) offsets(%dma_start3A_5 : memref<128xi32, #tpu.memory_space<vmem>>) semaphore(%arg13 : memref<!tpu.dma_semaphore, #tpu.memory_space<semaphore_mem>>)
    %scan3A = arith.constant 0 : i32
    %scan3A_9 = arith.constant 40 : i32
    %scan3A_10 = arith.addi %scan3A, %scan3A_9 : i32
    %scan3A_11 = arith.constant 1 : i32
    scf.for %scan3A_16 = %scan3A to %scan3A_10 step %scan3A_11  : i32 {
      %mul3A_17 = arith.constant 2 : i32
      %mul3A_18 = arith.muli %scan3A_16, %mul3A_17 : i32
      %add3A_19 = arith.constant 0 : i32
      %add3A_20 = arith.addi %add3A_19, %mul3A_18 : i32
      %add3A_21 = arith.constant 1 : i32
      %add3A_22 = arith.addi %add3A_20, %add3A_21 : i32
      %dma_start3A_23 = arith.constant 0 : i32
      %dma_start3A_24 = tpu.memref_slice %arg8[%add3A_22, %dma_start3A_23] : memref<80x128xi32, #tpu.memory_space<vmem>> -> memref<1x128xi32, #tpu.memory_space<vmem>>
      %dma_start3A_25 = tpu.memref_squeeze %dma_start3A_24 : memref<1x128xi32, #tpu.memory_space<vmem>> -> memref<128xi32, #tpu.memory_space<vmem>>
      %dma_start3A_26 = arith.constant 0 : i32
      %dma_start3A_27 = arith.constant 0 : i32
      %dma_start3A_28 = tpu.memref_slice %arg2[%dma_start3A_26, %dma_start3A_27] : memref<10240x64xf32, #tpu.memory_space<hbm>> -> memref<10240x64xf32, #tpu.memory_space<hbm>>
      tpu.enqueue_indirect_dma source(%dma_start3A_28 : memref<10240x64xf32, #tpu.memory_space<hbm>>) target(%arg11 : memref<128x64xf32, #tpu.memory_space<vmem>>) offsets(%dma_start3A_25 : memref<128xi32, #tpu.memory_space<vmem>>) semaphore(%arg14 : memref<!tpu.dma_semaphore, #tpu.memory_space<semaphore_mem>>)
      %dma_wait3A = arith.constant 0 : i32
      %dma_wait3A_29 = tpu.memref_slice %arg8[%add3A_20, %dma_wait3A] : memref<80x128xi32, #tpu.memory_space<vmem>> -> memref<1x128xi32, #tpu.memory_space<vmem>>
      %dma_wait3A_30 = tpu.memref_squeeze %dma_wait3A_29 : memref<1x128xi32, #tpu.memory_space<vmem>> -> memref<128xi32, #tpu.memory_space<vmem>>
      %dma_wait3A_31 = arith.constant 0 : i32
      %dma_wait3A_32 = arith.constant 0 : i32
      %dma_wait3A_33 = tpu.memref_slice %arg2[%dma_wait3A_31, %dma_wait3A_32] : memref<10240x64xf32, #tpu.memory_space<hbm>> -> memref<10240x64xf32, #tpu.memory_space<hbm>>
      tpu.wait_indirect_dma semaphore(%arg13 : memref<!tpu.dma_semaphore, #tpu.memory_space<semaphore_mem>>) src(%dma_wait3A_33 : memref<10240x64xf32, #tpu.memory_space<hbm>>) dst(%arg10 : memref<128x64xf32, #tpu.memory_space<vmem>>)
      "tpu.region"() ({
        %run_scoped3A = tpu.sem_alloc : memref<!tpu.dma_semaphore, #tpu.memory_space<semaphore_mem>>
        %dma_start3A_48 = arith.constant 0 : i32
        %dma_start3A_49 = tpu.memref_slice %arg9[%add3A_20, %dma_start3A_48] : memref<80x128xi32, #tpu.memory_space<vmem>> -> memref<1x128xi32, #tpu.memory_space<vmem>>
        %dma_start3A_50 = tpu.memref_squeeze %dma_start3A_49 : memref<1x128xi32, #tpu.memory_space<vmem>> -> memref<128xi32, #tpu.memory_space<vmem>>
        %dma_start3A_51 = arith.constant 0 : i32
        %dma_start3A_52 = arith.constant 0 : i32
        %dma_start3A_53 = tpu.memref_slice %arg12[%dma_start3A_51, %dma_start3A_52] : memref<10240x64xf32, #tpu.memory_space<vmem_shared>> -> memref<10240x64xf32, #tpu.memory_space<vmem_shared>>
        tpu.enqueue_indirect_dma source(%arg10 : memref<128x64xf32, #tpu.memory_space<vmem>>) target(%dma_start3A_53 : memref<10240x64xf32, #tpu.memory_space<vmem_shared>>) offsets(%dma_start3A_50 : memref<128xi32, #tpu.memory_space<vmem>>) semaphore(%run_scoped3A : memref<!tpu.dma_semaphore, #tpu.memory_space<semaphore_mem>>) {add = true}
        %dma_wait3A_54 = arith.constant 0 : i32
        %dma_wait3A_55 = tpu.memref_slice %arg9[%add3A_20, %dma_wait3A_54] : memref<80x128xi32, #tpu.memory_space<vmem>> -> memref<1x128xi32, #tpu.memory_space<vmem>>
        %dma_wait3A_56 = tpu.memref_squeeze %dma_wait3A_55 : memref<1x128xi32, #tpu.memory_space<vmem>> -> memref<128xi32, #tpu.memory_space<vmem>>
        %dma_wait3A_57 = arith.constant 0 : i32
        %dma_wait3A_58 = arith.constant 0 : i32
        %dma_wait3A_59 = tpu.memref_slice %arg12[%dma_wait3A_57, %dma_wait3A_58] : memref<10240x64xf32, #tpu.memory_space<vmem_shared>> -> memref<10240x64xf32, #tpu.memory_space<vmem_shared>>
        tpu.wait_indirect_dma semaphore(%run_scoped3A : memref<!tpu.dma_semaphore, #tpu.memory_space<semaphore_mem>>) src(%arg10 : memref<128x64xf32, #tpu.memory_space<vmem>>) dst(%dma_wait3A_59 : memref<10240x64xf32, #tpu.memory_space<vmem_shared>>)
        tpu.yield
      }) : () -> ()
      %add3A_34 = arith.constant 2 : i32
      %add3A_35 = arith.addi %add3A_20, %add3A_34 : i32
      %lt3A = arith.constant 80 : i32
      %lt3A_36 = arith.cmpi slt, %add3A_35, %lt3A : i32
      %convert_element_type3A = arith.extui %lt3A_36 : i1 to i32
      %cond3A = arith.constant 0 : i32
      %cond3A_37 = arith.cmpi ne, %convert_element_type3A, %cond3A : i32
      scf.if %cond3A_37 {
        %add3A_48 = arith.constant 2 : i32
        %add3A_49 = arith.addi %add3A_20, %add3A_48 : i32
        %dma_start3A_50 = arith.constant 0 : i32
        %dma_start3A_51 = tpu.memref_slice %arg8[%add3A_49, %dma_start3A_50] : memref<80x128xi32, #tpu.memory_space<vmem>> -> memref<1x128xi32, #tpu.memory_space<vmem>>
        %dma_start3A_52 = tpu.memref_squeeze %dma_start3A_51 : memref<1x128xi32, #tpu.memory_space<vmem>> -> memref<128xi32, #tpu.memory_space<vmem>>
        %dma_start3A_53 = arith.constant 0 : i32
        %dma_start3A_54 = arith.constant 0 : i32
        %dma_start3A_55 = tpu.memref_slice %arg2[%dma_start3A_53, %dma_start3A_54] : memref<10240x64xf32, #tpu.memory_space<hbm>> -> memref<10240x64xf32, #tpu.memory_space<hbm>>
        tpu.enqueue_indirect_dma source(%dma_start3A_55 : memref<10240x64xf32, #tpu.memory_space<hbm>>) target(%arg10 : memref<128x64xf32, #tpu.memory_space<vmem>>) offsets(%dma_start3A_52 : memref<128xi32, #tpu.memory_space<vmem>>) semaphore(%arg13 : memref<!tpu.dma_semaphore, #tpu.memory_space<semaphore_mem>>)
      } else {
      }
      %add3A_38 = arith.constant 1 : i32
      %add3A_39 = arith.addi %add3A_20, %add3A_38 : i32
      %dma_wait3A_40 = arith.constant 0 : i32
      %dma_wait3A_41 = tpu.memref_slice %arg8[%add3A_39, %dma_wait3A_40] : memref<80x128xi32, #tpu.memory_space<vmem>> -> memref<1x128xi32, #tpu.memory_space<vmem>>
      %dma_wait3A_42 = tpu.memref_squeeze %dma_wait3A_41 : memref<1x128xi32, #tpu.memory_space<vmem>> -> memref<128xi32, #tpu.memory_space<vmem>>
      %dma_wait3A_43 = arith.constant 0 : i32
      %dma_wait3A_44 = arith.constant 0 : i32
      %dma_wait3A_45 = tpu.memref_slice %arg2[%dma_wait3A_43, %dma_wait3A_44] : memref<10240x64xf32, #tpu.memory_space<hbm>> -> memref<10240x64xf32, #tpu.memory_space<hbm>>
      tpu.wait_indirect_dma semaphore(%arg14 : memref<!tpu.dma_semaphore, #tpu.memory_space<semaphore_mem>>) src(%dma_wait3A_45 : memref<10240x64xf32, #tpu.memory_space<hbm>>) dst(%arg11 : memref<128x64xf32, #tpu.memory_space<vmem>>)
      %add3A_46 = arith.constant 1 : i32
      %add3A_47 = arith.addi %add3A_20, %add3A_46 : i32
      "tpu.region"() ({
        %run_scoped3A = tpu.sem_alloc : memref<!tpu.dma_semaphore, #tpu.memory_space<semaphore_mem>>
        %dma_start3A_48 = arith.constant 0 : i32
        %dma_start3A_49 = tpu.memref_slice %arg9[%add3A_47, %dma_start3A_48] : memref<80x128xi32, #tpu.memory_space<vmem>> -> memref<1x128xi32, #tpu.memory_space<vmem>>
        %dma_start3A_50 = tpu.memref_squeeze %dma_start3A_49 : memref<1x128xi32, #tpu.memory_space<vmem>> -> memref<128xi32, #tpu.memory_space<vmem>>
        %dma_start3A_51 = arith.constant 0 : i32
        %dma_start3A_52 = arith.constant 0 : i32
        %dma_start3A_53 = tpu.memref_slice %arg12[%dma_start3A_51, %dma_start3A_52] : memref<10240x64xf32, #tpu.memory_space<vmem_shared>> -> memref<10240x64xf32, #tpu.memory_space<vmem_shared>>
        tpu.enqueue_indirect_dma source(%arg11 : memref<128x64xf32, #tpu.memory_space<vmem>>) target(%dma_start3A_53 : memref<10240x64xf32, #tpu.memory_space<vmem_shared>>) offsets(%dma_start3A_50 : memref<128xi32, #tpu.memory_space<vmem>>) semaphore(%run_scoped3A : memref<!tpu.dma_semaphore, #tpu.memory_space<semaphore_mem>>) {add = true}
        %dma_wait3A_54 = arith.constant 0 : i32
        %dma_wait3A_55 = tpu.memref_slice %arg9[%add3A_47, %dma_wait3A_54] : memref<80x128xi32, #tpu.memory_space<vmem>> -> memref<1x128xi32, #tpu.memory_space<vmem>>
        %dma_wait3A_56 = tpu.memref_squeeze %dma_wait3A_55 : memref<1x128xi32, #tpu.memory_space<vmem>> -> memref<128xi32, #tpu.memory_space<vmem>>
        %dma_wait3A_57 = arith.constant 0 : i32
        %dma_wait3A_58 = arith.constant 0 : i32
        %dma_wait3A_59 = tpu.memref_slice %arg12[%dma_wait3A_57, %dma_wait3A_58] : memref<10240x64xf32, #tpu.memory_space<vmem_shared>> -> memref<10240x64xf32, #tpu.memory_space<vmem_shared>>
        tpu.wait_indirect_dma semaphore(%run_scoped3A : memref<!tpu.dma_semaphore, #tpu.memory_space<semaphore_mem>>) src(%arg11 : memref<128x64xf32, #tpu.memory_space<vmem>>) dst(%dma_wait3A_59 : memref<10240x64xf32, #tpu.memory_space<vmem_shared>>)
        tpu.yield
      }) : () -> ()
    }
    %scan3A_12 = arith.constant 40 : i32
    %barrier3A_13 = arith.constant 0 : index
    tpu.barrier barrier_id(%barrier3A_13)
    %mul3A_14 = arith.constant 640 : i32
    %mul3A_15 = arith.muli %arg1, %mul3A_14 : i32
    "tpu.region"() ({
      %run_scoped3A = tpu.sem_alloc : memref<!tpu.dma_semaphore, #tpu.memory_space<semaphore_mem>>
      %dma_start3A_16 = arith.constant 0 : i32
      %dma_start3A_17 = arith.constant 0 : i32
      %dma_start3A_18 = tpu.memref_slice %arg7[%arg0, %arg1, %dma_start3A_16, %dma_start3A_17] : memref<2x16x640x64xf32, #tpu.memory_space<hbm>> -> memref<1x1x640x64xf32, #tpu.memory_space<hbm>>
      %dma_start3A_19 = tpu.memref_squeeze %dma_start3A_18 : memref<1x1x640x64xf32, #tpu.memory_space<hbm>> -> memref<640x64xf32, #tpu.memory_space<hbm>>
      %dma_start3A_20 = arith.constant 0 : i32
      %dma_start3A_21 = tpu.memref_slice %arg12[%mul3A_15, %dma_start3A_20] : memref<10240x64xf32, #tpu.memory_space<vmem_shared>> -> memref<640x64xf32, #tpu.memory_space<vmem_shared>>
      tpu.enqueue_dma source(%dma_start3A_21 : memref<640x64xf32, #tpu.memory_space<vmem_shared>>) target(%dma_start3A_19 : memref<640x64xf32, #tpu.memory_space<hbm>>) target_semaphore(%run_scoped3A : memref<!tpu.dma_semaphore, #tpu.memory_space<semaphore_mem>>)
      %dma_wait3A = arith.constant 0 : i32
      %dma_wait3A_22 = arith.constant 0 : i32
      %dma_wait3A_23 = tpu.memref_slice %arg7[%arg0, %arg1, %dma_wait3A, %dma_wait3A_22] : memref<2x16x640x64xf32, #tpu.memory_space<hbm>> -> memref<1x1x640x64xf32, #tpu.memory_space<hbm>>
      %dma_wait3A_24 = tpu.memref_squeeze %dma_wait3A_23 : memref<1x1x640x64xf32, #tpu.memory_space<hbm>> -> memref<640x64xf32, #tpu.memory_space<hbm>>
      %dma_wait3A_25 = arith.constant 0 : i32
      %dma_wait3A_26 = tpu.memref_slice %arg12[%mul3A_15, %dma_wait3A_25] : memref<10240x64xf32, #tpu.memory_space<vmem_shared>> -> memref<640x64xf32, #tpu.memory_space<vmem_shared>>
      tpu.wait_dma2 semaphore(%run_scoped3A : memref<!tpu.dma_semaphore, #tpu.memory_space<semaphore_mem>>) src(%dma_wait3A_26 : memref<640x64xf32, #tpu.memory_space<vmem_shared>>) dst(%dma_wait3A_24 : memref<640x64xf32, #tpu.memory_space<hbm>>)
      tpu.yield
    }) : () -> ()
    return
  }
}

module attributes {stable_mosaic.version = 14 : i64} {
  func.func @body(%arg0: i32, %arg1: memref<640x128xf32, #tpu.memory_space<vmem>>, %arg2: memref<128x128xf32, #tpu.memory_space<vmem>>, %arg3: memref<640x64xf32, #tpu.memory_space<vmem>>, %arg4: memref<640x64xf32, #tpu.memory_space<vmem>>) attributes {dimension_semantics = [#tpu.dimension_semantics<arbitrary>], iteration_bounds = array<i64: 16>, scalar_prefetch = 0 : i64, scratch_operands = 0 : i64, tpu.core_type = #tpu.core_type<tc>, window_params = [{transform_indices = @transform_0, window_bounds = array<i64: 640, 128>}, {pipeline_mode = #tpu.pipeline_mode<synchronous>, transform_indices = @transform_1, window_bounds = array<i64: 128, 128>}, {transform_indices = @transform_2, window_bounds = array<i64: 640, 64>}, {transform_indices = @transform_3, window_bounds = array<i64: 640, 64>}]} {
    %get3A = arith.constant 0 : index
    %get3A_0 = arith.constant 0 : index
    %get3A_1 = vector.load %arg1[%get3A, %get3A_0] : memref<640x128xf32, #tpu.memory_space<vmem>>, vector<640x128xf32>
    %get3A_2 = arith.constant 0 : index
    %get3A_3 = arith.constant 0 : index
    %get3A_4 = vector.load %arg2[%get3A_2, %get3A_3] : memref<128x128xf32, #tpu.memory_space<vmem>>, vector<128x128xf32>
    %dot_general3A = arith.constant dense<0.000000e+00> : vector<640x128xf32>
    %dot_general3A_5 = tpu.matmul %get3A_1, %get3A_4, %dot_general3A {dimension_numbers = #tpu.dot_dimension_numbers<[1], [0], [0], [1], [0, 0, 1, 1], [], []>, transpose_lhs_hint = false} : vector<640x128xf32>, vector<128x128xf32>, vector<640x128xf32> -> vector<640x128xf32>
    %slice3A = vector.extract_strided_slice %dot_general3A_5 {offsets = [0, 0], sizes = [640, 64], strides = [1, 1]} : vector<640x128xf32> to vector<640x64xf32>
    %swap3A = arith.constant 0 : index
    %swap3A_6 = arith.constant 0 : index
    %swap3A_7 = vector.load %arg3[%swap3A, %swap3A_6] : memref<640x64xf32, #tpu.memory_space<vmem>>, vector<640x64xf32>
    tpu.vector_store %arg3[%swap3A, %swap3A_6], %slice3A {strides = array<i32>} : memref<640x64xf32, #tpu.memory_space<vmem>>, vector<640x64xf32>,
    %slice3A_8 = vector.extract_strided_slice %dot_general3A_5 {offsets = [0, 64], sizes = [640, 64], strides = [1, 1]} : vector<640x128xf32> to vector<640x64xf32>
    %swap3A_9 = arith.constant 0 : index
    %swap3A_10 = arith.constant 0 : index
    %swap3A_11 = vector.load %arg4[%swap3A_9, %swap3A_10] : memref<640x64xf32, #tpu.memory_space<vmem>>, vector<640x64xf32>
    tpu.vector_store %arg4[%swap3A_9, %swap3A_10], %slice3A_8 {strides = array<i32>} : memref<640x64xf32, #tpu.memory_space<vmem>>, vector<640x64xf32>,
    return
  }
  func.func @transform_0(%arg0: i32) -> (i32, i32) {
    %c0_i32 = arith.constant 0 : i32
    %c0_i32_0 = arith.constant 0 : i32
    return %arg0, %c0_i32 : i32, i32
  }
  func.func @transform_1(%arg0: i32) -> (i32, i32) {
    %c0_i32 = arith.constant 0 : i32
    %c0_i32_0 = arith.constant 0 : i32
    %c0_i32_1 = arith.constant 0 : i32
    return %c0_i32, %c0_i32_0 : i32, i32
  }
  func.func @transform_2(%arg0: i32) -> (i32, i32) {
    %c0_i32 = arith.constant 0 : i32
    %c0_i32_0 = arith.constant 0 : i32
    return %arg0, %c0_i32 : i32, i32
  }
  func.func @transform_3(%arg0: i32) -> (i32, i32) {
    %c0_i32 = arith.constant 0 : i32
    %c0_i32_0 = arith.constant 0 : i32
    return %arg0, %c0_i32 : i32, i32
  }
}

module attributes {stable_mosaic.version = 14 : i64} {
  func.func @body(%arg0: i32, %arg1: memref<2x1x640x64xf32, #tpu.memory_space<vmem>>, %arg2: memref<2x16x640xf32, #tpu.memory_space<vmem>>, %arg3: memref<640x64xf32, #tpu.memory_space<vmem>>, %arg4: memref<1x64xf32, #tpu.memory_space<vmem>>, %arg5: memref<64x2xf32, #tpu.memory_space<vmem>>, %arg6: memref<1x640xf32, #tpu.memory_space<vmem>>, %arg7: memref<1x640xf32, #tpu.memory_space<vmem>>) attributes {dimension_semantics = [#tpu.dimension_semantics<arbitrary>], iteration_bounds = array<i64: 16>, scalar_prefetch = 0 : i64, scratch_operands = 0 : i64, tpu.core_type = #tpu.core_type<tc>, window_params = [{transform_indices = @transform_0, window_bounds = array<i64: 2, 1, 640, 64>}, {transform_indices = @transform_1, window_bounds = array<i64: 2, 16, 640>}, {transform_indices = @transform_2, window_bounds = array<i64: 640, 64>}, {pipeline_mode = #tpu.pipeline_mode<synchronous>, transform_indices = @transform_3, window_bounds = array<i64: 1, 64>}, {pipeline_mode = #tpu.pipeline_mode<synchronous>, transform_indices = @transform_4, window_bounds = array<i64: 64, 2>}, {transform_indices = @transform_5, window_bounds = array<i64: 1, 640>}, {transform_indices = @transform_6, window_bounds = array<i64: 1, 640>}]} {
    %get3A = arith.constant 0 : index
    %get3A_0 = arith.constant 0 : index
    %get3A_1 = arith.constant 0 : index
    %get3A_2 = arith.constant 0 : index
    %get3A_3 = vector.load %arg1[%get3A, %get3A_0, %get3A_1, %get3A_2] : memref<2x1x640x64xf32, #tpu.memory_space<vmem>>, vector<1x1x640x64xf32>
    %get3A_4 = vector.shape_cast %get3A_3 : vector<1x1x640x64xf32> to vector<640x64xf32>
    %get3A_5 = arith.constant 1 : index
    %get3A_6 = arith.constant 0 : index
    %get3A_7 = arith.constant 0 : index
    %get3A_8 = arith.constant 0 : index
    %get3A_9 = vector.load %arg1[%get3A_5, %get3A_6, %get3A_7, %get3A_8] : memref<2x1x640x64xf32, #tpu.memory_space<vmem>>, vector<1x1x640x64xf32>
    %get3A_10 = vector.shape_cast %get3A_9 : vector<1x1x640x64xf32> to vector<640x64xf32>
    %add3A = arith.addf %get3A_4, %get3A_10 : vector<640x64xf32>
    %get3A_11 = arith.constant 0 : index
    %get3A_12 = arith.constant 0 : index
    %get3A_13 = arith.constant 0 : index
    %get3A_14 = vector.load %arg2[%get3A_11, %get3A_12, %get3A_13] : memref<2x16x640xf32, #tpu.memory_space<vmem>>, vector<2x16x640xf32>
    %reduce_sum3A = arith.constant dense<0.000000e+00> : vector<640xf32>
    %reduce_sum3A_15 = vector.multi_reduction <add>, %get3A_14, %reduce_sum3A [0, 1] : vector<2x16x640xf32> to vector<640xf32>
    %max3A = arith.constant 1.000000e+00 : f32
    %max3A_16 = vector.broadcast %max3A : f32 to vector<640xf32>
    %max3A_17 = arith.maximumf %reduce_sum3A_15, %max3A_16 : vector<640xf32>
    %reshape3A = vector.shape_cast %max3A_17 : vector<640xf32> to vector<640x1xf32>
    %div3A = vector.broadcast %reshape3A : vector<640x1xf32> to vector<640x64xf32>
    %div3A_18 = arith.divf %add3A, %div3A : vector<640x64xf32>
    %get3A_19 = arith.constant 0 : index
    %get3A_20 = arith.constant 0 : index
    %get3A_21 = vector.load %arg4[%get3A_19, %get3A_20] : memref<1x64xf32, #tpu.memory_space<vmem>>, vector<1x64xf32>
    %add3A_22 = vector.broadcast %get3A_21 : vector<1x64xf32> to vector<640x64xf32>
    %add3A_23 = arith.addf %div3A_18, %add3A_22 : vector<640x64xf32>
    %get3A_24 = arith.constant 0 : index
    %get3A_25 = arith.constant 0 : index
    %get3A_26 = vector.load %arg3[%get3A_24, %get3A_25] : memref<640x64xf32, #tpu.memory_space<vmem>>, vector<640x64xf32>
    %add3A_27 = arith.addf %add3A_23, %get3A_26 : vector<640x64xf32>
    %max3A_28 = arith.constant 0.000000e+00 : f32
    %max3A_29 = vector.broadcast %max3A_28 : f32 to vector<640x64xf32>
    %max3A_30 = arith.maximumf %add3A_27, %max3A_29 : vector<640x64xf32>
    %get3A_31 = arith.constant 0 : index
    %get3A_32 = arith.constant 0 : index
    %get3A_33 = vector.load %arg5[%get3A_31, %get3A_32] : memref<64x2xf32, #tpu.memory_space<vmem>>, vector<64x2xf32>
    %dot_general3A = arith.constant dense<0.000000e+00> : vector<640x2xf32>
    %dot_general3A_34 = tpu.matmul %max3A_30, %get3A_33, %dot_general3A {dimension_numbers = #tpu.dot_dimension_numbers<[1], [0], [0], [1], [0, 0, 1, 1], [], []>, transpose_lhs_hint = false} : vector<640x64xf32>, vector<64x2xf32>, vector<640x2xf32> -> vector<640x2xf32>
    %slice3A = vector.extract_strided_slice %dot_general3A_34 {offsets = [0, 0], sizes = [640, 1], strides = [1, 1]} : vector<640x2xf32> to vector<640x1xf32>
    %squeeze3A = vector.shape_cast %slice3A : vector<640x1xf32> to vector<640xf32>
    %reshape3A_35 = vector.shape_cast %squeeze3A : vector<640xf32> to vector<1x640xf32>
    %swap3A = arith.constant 0 : index
    %swap3A_36 = arith.constant 0 : index
    %swap3A_37 = vector.load %arg6[%swap3A, %swap3A_36] : memref<1x640xf32, #tpu.memory_space<vmem>>, vector<1x640xf32>
    tpu.vector_store %arg6[%swap3A, %swap3A_36], %reshape3A_35 {strides = array<i32>} : memref<1x640xf32, #tpu.memory_space<vmem>>, vector<1x640xf32>,
    %slice3A_38 = vector.extract_strided_slice %dot_general3A_34 {offsets = [0, 1], sizes = [640, 1], strides = [1, 1]} : vector<640x2xf32> to vector<640x1xf32>
    %squeeze3A_39 = vector.shape_cast %slice3A_38 : vector<640x1xf32> to vector<640xf32>
    %reshape3A_40 = vector.shape_cast %squeeze3A_39 : vector<640xf32> to vector<1x640xf32>
    %swap3A_41 = arith.constant 0 : index
    %swap3A_42 = arith.constant 0 : index
    %swap3A_43 = vector.load %arg7[%swap3A_41, %swap3A_42] : memref<1x640xf32, #tpu.memory_space<vmem>>, vector<1x640xf32>
    tpu.vector_store %arg7[%swap3A_41, %swap3A_42], %reshape3A_40 {strides = array<i32>} : memref<1x640xf32, #tpu.memory_space<vmem>>, vector<1x640xf32>,
    return
  }
  func.func @transform_0(%arg0: i32) -> (i32, i32, i32, i32) {
    %c0_i32 = arith.constant 0 : i32
    %c0_i32_0 = arith.constant 0 : i32
    %c0_i32_1 = arith.constant 0 : i32
    %c0_i32_2 = arith.constant 0 : i32
    return %c0_i32, %arg0, %c0_i32_0, %c0_i32_1 : i32, i32, i32, i32
  }
  func.func @transform_1(%arg0: i32) -> (i32, i32, i32) {
    %c0_i32 = arith.constant 0 : i32
    %c0_i32_0 = arith.constant 0 : i32
    %c0_i32_1 = arith.constant 0 : i32
    return %c0_i32, %c0_i32_0, %arg0 : i32, i32, i32
  }
  func.func @transform_2(%arg0: i32) -> (i32, i32) {
    %c0_i32 = arith.constant 0 : i32
    %c0_i32_0 = arith.constant 0 : i32
    return %arg0, %c0_i32 : i32, i32
  }
  func.func @transform_3(%arg0: i32) -> (i32, i32) {
    %c0_i32 = arith.constant 0 : i32
    %c0_i32_0 = arith.constant 0 : i32
    %c0_i32_1 = arith.constant 0 : i32
    return %c0_i32, %c0_i32_0 : i32, i32
  }
  func.func @transform_4(%arg0: i32) -> (i32, i32) {
    %c0_i32 = arith.constant 0 : i32
    %c0_i32_0 = arith.constant 0 : i32
    %c0_i32_1 = arith.constant 0 : i32
    return %c0_i32, %c0_i32_0 : i32, i32
  }
  func.func @transform_5(%arg0: i32) -> (i32, i32) {
    %c0_i32 = arith.constant 0 : i32
    %c0_i32_0 = arith.constant 0 : i32
    return %c0_i32, %arg0 : i32, i32
  }
  func.func @transform_6(%arg0: i32) -> (i32, i32) {
    %c0_i32 = arith.constant 0 : i32
    %c0_i32_0 = arith.constant 0 : i32
    return %c0_i32, %arg0 : i32, i32
  }
}

module attributes {stable_mosaic.version = 14 : i64} {
  func.func @body(%arg0: i32, %arg1: memref<2x16x640xf32, #tpu.memory_space<vmem>>, %arg2: memref<2x16x640xf32, #tpu.memory_space<vmem>>, %arg3: memref<1x640xf32, #tpu.memory_space<vmem>>, %arg4: memref<1x1xf32, #tpu.memory_space<vmem>>, %arg5: memref<640x1xf32, #tpu.memory_space<vmem>>) attributes {dimension_semantics = [#tpu.dimension_semantics<arbitrary>], iteration_bounds = array<i64: 16>, scalar_prefetch = 0 : i64, scratch_operands = 0 : i64, tpu.core_type = #tpu.core_type<tc>, window_params = [{transform_indices = @transform_0, window_bounds = array<i64: 2, 16, 640>}, {transform_indices = @transform_1, window_bounds = array<i64: 2, 16, 640>}, {transform_indices = @transform_2, window_bounds = array<i64: 1, 640>}, {pipeline_mode = #tpu.pipeline_mode<synchronous>, transform_indices = @transform_3, window_bounds = array<i64: 1, 1>}, {transform_indices = @transform_4, window_bounds = array<i64: 640, 1>}]} {
    %get3A = arith.constant 0 : index
    %get3A_0 = arith.constant 0 : index
    %get3A_1 = arith.constant 0 : index
    %get3A_2 = vector.load %arg1[%get3A, %get3A_0, %get3A_1] : memref<2x16x640xf32, #tpu.memory_space<vmem>>, vector<2x16x640xf32>
    %reduce_sum3A = arith.constant dense<0.000000e+00> : vector<640xf32>
    %reduce_sum3A_3 = vector.multi_reduction <add>, %get3A_2, %reduce_sum3A [0, 1] : vector<2x16x640xf32> to vector<640xf32>
    %get3A_4 = arith.constant 0 : index
    %get3A_5 = arith.constant 0 : index
    %get3A_6 = arith.constant 0 : index
    %get3A_7 = vector.load %arg2[%get3A_4, %get3A_5, %get3A_6] : memref<2x16x640xf32, #tpu.memory_space<vmem>>, vector<2x16x640xf32>
    %reduce_sum3A_8 = arith.constant dense<0.000000e+00> : vector<640xf32>
    %reduce_sum3A_9 = vector.multi_reduction <add>, %get3A_7, %reduce_sum3A_8 [0, 1] : vector<2x16x640xf32> to vector<640xf32>
    %max3A = arith.constant 1.000000e+00 : f32
    %max3A_10 = vector.broadcast %max3A : f32 to vector<640xf32>
    %max3A_11 = arith.maximumf %reduce_sum3A_9, %max3A_10 : vector<640xf32>
    %div3A = arith.divf %reduce_sum3A_3, %max3A_11 : vector<640xf32>
    %get3A_12 = arith.constant 0 : index
    %get3A_13 = arith.constant 0 : index
    %get3A_14 = vector.load %arg4[%get3A_12, %get3A_13] : memref<1x1xf32, #tpu.memory_space<vmem>>, vector<1x1xf32>
    %get3A_15 = vector.extract %get3A_14[0, 0] : f32 from vector<1x1xf32>
    %add3A = vector.broadcast %get3A_15 : f32 to vector<640xf32>
    %add3A_16 = arith.addf %div3A, %add3A : vector<640xf32>
    %get3A_17 = arith.constant 0 : index
    %get3A_18 = arith.constant 0 : index
    %get3A_19 = vector.load %arg3[%get3A_17, %get3A_18] : memref<1x640xf32, #tpu.memory_space<vmem>>, vector<1x640xf32>
    %get3A_20 = vector.shape_cast %get3A_19 : vector<1x640xf32> to vector<640xf32>
    %add3A_21 = arith.addf %add3A_16, %get3A_20 : vector<640xf32>
    %reshape3A = vector.shape_cast %add3A_21 : vector<640xf32> to vector<640x1xf32>
    %swap3A = arith.constant 0 : index
    %swap3A_22 = arith.constant 0 : index
    %swap3A_23 = vector.load %arg5[%swap3A, %swap3A_22] : memref<640x1xf32, #tpu.memory_space<vmem>>, vector<640x1xf32>
    tpu.vector_store %arg5[%swap3A, %swap3A_22], %reshape3A {strides = array<i32>} : memref<640x1xf32, #tpu.memory_space<vmem>>, vector<640x1xf32>,
    return
  }
  func.func @transform_0(%arg0: i32) -> (i32, i32, i32) {
    %c0_i32 = arith.constant 0 : i32
    %c0_i32_0 = arith.constant 0 : i32
    %c0_i32_1 = arith.constant 0 : i32
    return %c0_i32, %c0_i32_0, %arg0 : i32, i32, i32
  }
  func.func @transform_1(%arg0: i32) -> (i32, i32, i32) {
    %c0_i32 = arith.constant 0 : i32
    %c0_i32_0 = arith.constant 0 : i32
    %c0_i32_1 = arith.constant 0 : i32
    return %c0_i32, %c0_i32_0, %arg0 : i32, i32, i32
  }
  func.func @transform_2(%arg0: i32) -> (i32, i32) {
    %c0_i32 = arith.constant 0 : i32
    %c0_i32_0 = arith.constant 0 : i32
    return %c0_i32, %arg0 : i32, i32
  }
  func.func @transform_3(%arg0: i32) -> (i32, i32) {
    %c0_i32 = arith.constant 0 : i32
    %c0_i32_0 = arith.constant 0 : i32
    %c0_i32_1 = arith.constant 0 : i32
    return %c0_i32, %c0_i32_0 : i32, i32
  }
  func.func @transform_4(%arg0: i32) -> (i32, i32) {
    %c0_i32 = arith.constant 0 : i32
    %c0_i32_0 = arith.constant 0 : i32
    return %arg0, %c0_i32 : i32, i32
  }
}

</mosaic_0001>

<sc_bundles>
// kernel: kernel.11.cloned.1.call-start
scs
__scs_entry_jumppad:
0x0: {  	(pc) =	sbr.rel $0x88, $3  }
0x1: {  	(tag) =	ssettag $0x0;
	lr =	simm.s32 $0x1  }
0x2: {  	[smem:$0x3F99] =	sst lr;
	_ =	strace $0xD0000000  }
0x3: {  	_ = 	snop  }
0x4: {  	_ = 	snop  }
0x5: {  	_ = 	snop  }
0x6: {  	_ = 	snop  }
0x7: {  	_ = 	snop  }
__scs_overlays_trampoline_lowered:
0x8: {  	[smem:$0x3FA8] =	sst s0  }
0x9: {  	[smem:$0x3FA9] =	sst s1  }
0xa: {  	[smem:$0x3FAA] =	sst s2  }
0xb: {  	[smem:$0x3FAB] =	sst s3  }
0xc: {  	[smem:$0x3FAC] =	sst s4  }
0xd: {  	[smem:$0x3FAD] =	sst s5  }
0xe: {  	[smem:$0x3FAE] =	sst s6  }
0xf: {  	[smem:$0x3FAF] =	sst s7  }
0x10: {  	[smem:$0x3FB0] =	sst s8  }
0x11: {  	[smem:$0x3FB1] =	sst s9;
	s0 =	simm.s32 @!p0 $0x0  }
0x12: {  	s1 =	sld [smem:$0x3F97];
	s0 =	simm.s32 @p0 $0x1  }
0x13: {  	[smem:$0x3FB2] =	sst s0;
	s0 =	simm.s32 @!p1 $0x0  }
0x14: {  	s2 =	sld [smem:$0x3F96];
	s0 =	simm.s32 @p1 $0x1  }
0x15: {  	[smem:$0x3FB3] =	sst s0;
	s0 =	simm.s32 @!p2 $0x0  }
0x16: {  	s3 =	sld [smem:$0x3FDB];
	s0 =	simm.s32 @p2 $0x1  }
0x17: {  	s4 =	simm.s32 $0x1BF5;
	[smem:$0x3FB5] =	sst s0  }
0x18: {  	s0 =	sld [smem:$0x3F98];
	_ =	swait.ge [sflag:s4], $0x0  }
0x19: {  	s7 =	sld [smem:$0x3F99]  }
0x1a: {  	s8 =	sadd.s32 $0xFFFFE003, lr  }
0x1b: {  	s9 =	sadd.s32 $0xFFFFFEF7, lr;
	s5 =	simm.s32 $0xFFFFFFFF;
	p2 =	slt.u32 s8, $0xFFFFF086  }
0x1c: {  	p1 =	slt.u32 s9, $0xF7A;
	s5 =	simm.s32 @!p2 $0x0  }
0x1d: {  	s5 =	simm.s32 @p1 $0x1;
	p0 =	seq.s32 s7, s2  }
0x1e: {  	s7 =	smul.u32 @!p0 $0xF7A, s2;
	p2 =	seq.s32 @!p0 s5, $0x0  }
0x1f: {  	s9 =	smul.u32 $0xF7A, s1;
	s8 =	simm.s32 @!p0 $0x1BF5;
	p2 =	por !p2, p0  }
0x20: {  	[sflag:s8] =	ssyncset.s32 @!p0 $0xFFFFF086;
	s6 =	sadd.s32 @!p0 s3, s7;
	s7 =	simm.s32 @!p0 $0x108  }
0x21: {  	s3 =	sadd.s32 s3, s9;
	s6 =	sadd.s32 @!p0 $0x88, s6;
	s7 =	simm.s32 @p2 $0x1082  }
0x22: {  	[simem:s7], [sflag:s8] =	dma.local @!p0 [hbm:s6], $0xF7A  }
0x23: {  	s9 =	sor.u32 $0xD0000000, s2;
	s6 =	simm.s32 $0x108;
	_ =	swait.ge @!p0 [sflag:s8], $0x0  }
0x24: {  	s3 =	sadd.s32 $0x88, s3;
	s6 =	simm.s32 @!p1 $0x1082;
	[sflag:s4] =	ssyncset.s32 $0xFFFFF086  }
0x25: {  	[simem:s6], [sflag:s4] =	dma.local [hbm:s3], $0xF7A  }
0x26: {  	[smem:$0x3F99] =	sst s1;
	(tag) =	ssettag s2;
	_ =	strace s9  }
0x27: {  	s1 =	sld [smem:$0x3FA9]  }
0x28: {  	s2 =	sld [smem:$0x3FAA]  }
0x29: {  	s4 =	sld [smem:$0x3FAC]  }
0x2a: {  	p0 =	seq.s32 s5, $0x0;
	s5 =	sld [smem:$0x3FAD]  }
0x2b: {  	s6 =	sld [smem:$0x3FAE]  }
0x2c: {  	s7 =	sld [smem:$0x3FAF]  }
0x2d: {  	s3 =	simm.s32 $0x108;
	s8 =	sld [smem:$0x3FB0]  }
0x2e: {  	s3 =	simm.s32 @!p0 $0x1082;
	s9 =	sld [smem:$0x3FB1]  }
0x2f: {  	lr =	sadd.s32 s0, s3;
	s0 =	sld [smem:$0x3FA8]  }
0x30: {  	s3 =	sld [smem:$0x3FAB]  }
0x31: {  	[smem:$0x3FB4] =	sst s10  }
0x32: {  	s10 =	sld [smem:$0x3FB2];
	_ =	sdelay $0x3  }
0x33: {  	p0 =	seq.s32 s10, $0x1;
	s10 =	sld [smem:$0x3FB4];
	_ =	sdelay $0x3  }
0x34: {  	[smem:$0x3FB4] =	sst s10  }
0x35: {  	s10 =	sld [smem:$0x3FB3];
	_ =	sdelay $0x3  }
0x36: {  	p1 =	seq.s32 s10, $0x1;
	s10 =	sld [smem:$0x3FB4];
	_ =	sdelay $0x3  }
0x37: {  	[smem:$0x3FB4] =	sst s10  }
0x38: {  	s10 =	sld [smem:$0x3FB5]  }
0x39: {  	_ = 	snop;
	(pc) =	sbr.ind lr, $3  }
0x3a: {  	_ = 	snop  }
0x3b: {  	_ = 	snop  }
0x3c: {  	p2 =	seq.s32 s10, $0x1;
	s10 =	sld [smem:$0x3FB4]  }
0x3d: {  	_ =	shalt  }
0x3e: {  	_ =	shalt  }
0x3f: {  	_ =	shalt  }
0x40: {  	_ =	shalt  }
0x41: {  	_ =	shalt  }
0x42: {  	_ =	shalt  }
0x43: {  	_ =	shalt  }
0x44: {  	_ =	shalt  }
0x45: {  	_ =	shalt  }
0x46: {  	_ =	shalt  }
0x47: {  	_ =	shalt  }
0x48: {  	_ =	shalt  }
0x49: {  	_ =	shalt  }
0x4a: {  	_ =	shalt  }
0x4b: {  	_ =	shalt  }
0x4c: {  	_ =	shalt  }
0x4d: {  	_ =	shalt  }
0x4e: {  	_ =	shalt  }
0x4f: {  	_ =	shalt  }
0x50: {  	_ =	shalt  }
0x51: {  	_ =	shalt  }
0x52: {  	_ =	shalt  }
0x53: {  	_ =	shalt  }
0x54: {  	_ =	shalt  }
0x55: {  	_ =	shalt  }
0x56: {  	_ =	shalt  }
0x57: {  	_ =	shalt  }
0x58: {  	_ =	shalt  }
0x59: {  	_ =	shalt  }
0x5a: {  	_ =	shalt  }
0x5b: {  	_ =	shalt  }
0x5c: {  	_ =	shalt  }
0x5d: {  	_ =	shalt  }
0x5e: {  	_ =	shalt  }
0x5f: {  	_ =	shalt  }
0x60: {  	_ =	shalt  }
0x61: {  	_ =	shalt  }
0x62: {  	_ =	shalt  }
0x63: {  	_ =	shalt  }
0x64: {  	_ =	shalt  }
0x65: {  	_ =	shalt  }
0x66: {  	_ =	shalt  }
0x67: {  	_ =	shalt  }
0x68: {  	_ =	shalt  }
0x69: {  	_ =	shalt  }
0x6a: {  	_ =	shalt  }
0x6b: {  	_ =	shalt  }
0x6c: {  	_ =	shalt  }
0x6d: {  	_ =	shalt  }
0x6e: {  	_ =	shalt  }
0x6f: {  	_ =	shalt  }
0x70: {  	_ =	shalt  }
0x71: {  	_ =	shalt  }
0x72: {  	_ =	shalt  }
0x73: {  	_ =	shalt  }
0x74: {  	_ =	shalt  }
0x75: {  	_ =	shalt  }
0x76: {  	_ =	shalt  }
0x77: {  	_ =	shalt  }
0x78: {  	_ =	shalt  }
0x79: {  	_ =	shalt  }
0x7a: {  	_ =	shalt  }
0x7b: {  	_ =	shalt  }
0x7c: {  	_ =	shalt  }
0x7d: {  	_ =	shalt  }
0x7e: {  	_ =	shalt  }
0x7f: {  	_ =	shalt  }
0x80: {  	_ =	shalt  }
0x81: {  	_ =	shalt  }
0x82: {  	_ =	shalt  }
0x83: {  	_ =	shalt  }
0x84: {  	_ =	shalt  }
0x85: {  	_ =	shalt  }
0x86: {  	_ =	shalt  }
0x87: {  	_ =	shalt  }
.Lfunc_end0:
.L_simem_size_0:
called_computation.1_lowered:
.L_overlay_start_0:
0x88: {  	s2 =	sld [smem:$0x3FD9]  }
0x89: {  	s3 =	sld [smem:$0x3FFE];
	_ =	sdelay $0x1  }
0x8a: {  	s1 =	srdreg.scid  }
0x8b: {  	s0 =	sand.u32 $0x1, s1  }
0x8c: {  	s16 =	sshll.u32 s0, $0xA;
	s2 =	sadd.s32 s3, s2  }
0x8d: {  	s2 =	sadd.s32 s2, s16  }
0x8e: {  	[smem:$0x3FC0] =	sst s2  }
0x8f: {  	_ = 	snop  }
0x90: {  	(tm) =	ssettm $0x1  }
0x91: {  	s17 =	sld [smem:$0x3FFB];
	_ =	sdelay $0x3  }
0x92: {  	_ =	strace s17  }
0x93: {  	s2 =	sld [smem:$0x3FFC];
	_ =	sdelay $0x3  }
0x94: {  	_ =	strace s2  }
0x95: {  	s2 =	sld [smem:$0x3FFD];
	_ =	sdelay $0x3  }
0x96: {  	_ =	strace s2  }
0x97: {  	_ =	strace $0x8FFFFFFF  }
0x98: {  	s18 =	sld [smem:$0x3FDB];
	_ =	sdelay $0x1  }
0x99: {  	s19 =	simm.s32 $_scs_section_size  }
0x9a: {  	s4 =	simm.s32 $_size__tile_overlayer_lowered;
	s5 =	simm.s32 $_tile_overlayer_lowered  }
0x9b: {  	s22 =	simm.s32 $0x1BFF;
	s21 =	sshll.u32 s5, $0x1;
	s2 =	sadd.s32 s19, s18  }
0x9c: {  	s6 =	simm.s32 $0x0;
	s20 =	sshll.u32 s4, $0x1;
	s4 =	sadd.s32 s21, s2  }
0x9d: {  	[timem:s6], [sflag:s22] =	dma.local [hbm:s4], s20  }
0x9e: {  	_ =	swait.ge [sflag:s22], s20  }
0x9f: {  	s3 =	ssub.s32 $0x0, s20;
	[sflag:s22] =	ssyncset.done $0x0  }
0xa0: {  	[sflag:s22] =	ssyncadd.s32 s3;
	_ =	sdelay $0x1  }
0xa1: {  	s23 =	simm.s32 $0x1B8B  }
0xa2: {  	_ =	swait.ge [sflag:s23], $0x1  }
0xa3: {  	[sflag:s23] =	ssyncset.done $0x0  }
0xa4: {  	s25 =	simm.s32 $0x1B8E;
	s24 =	sld [smem:$0x3FFE];
	[sflag:s23] =	ssyncadd.s32 $0xFFFFFFFF  }
0xa5: {  	s26 =	simm.s32 $execute0_lowered;
	[smem:$0x3FD2] =	sst s25  }
0xa6: {  	s4 =	sshll.u32 s26, $0x1;
	_ =	strace $0x80000049;
	[dreg:$0x1] =	wrdreg $0xFFFFFFFF  }
0xa7: {  	s28 =	simm.s32 $_size_execute0_lowered;
	s2 =	sadd.s32 s2, s4;
	[dreg:$0x0] =	wrdreg $0x0  }
0xa8: {  	s4 =	sshll.u32 s28, $0x1;
	[dreg:$0x2] =	wrdreg s2  }
0xa9: {  	[dreg:$0x3] =	wrdreg s4  }
0xaa: {  	[dreg:$0x4] =	wrdreg $0xC0  }
0xab: {  	_ =	task [dreg:s6], $0x5FFFF  }
0xac: {  	[dreg:$0x1] =	wrdreg $0xFFFFFFFF  }
0xad: {  	[dreg:$0x0] =	wrdreg $0x60  }
0xae: {  	[dreg:$0x2] =	wrdreg s24  }
0xaf: {  	[dreg:$0x3] =	wrdreg $0x90000  }
0xb0: {  	[dreg:$0x4] =	wrdreg $0x9  }
0xb1: {  	_ =	task.clear_ibuf [dreg:s6], $0x5FFFF;
	_ =	strace $0x90000049  }
0xb2: {  	s29 =	simm.s32 $0x9;
	_ =	strace $0x8000004B  }
0xb3: {  	_ =	swait.ge [sflag:s29], $0x1  }
0xb4: {  	[sflag:s29] =	ssyncadd.s32 $0xFFFFFFFF  }
0xb5: {  	_ =	strace $0x9000004B  }
0xb6: {  	_ =	sfence  }
0xb7: {  	s30 =	sld [smem:$0x0];
	_ =	sdelay $0x2  }
0xb8: {  	s31 =	sshll.u32 s1, $0xD;
	s1 =	sshrl.u32 s1, $0x2  }
0xb9: {  	s3 =	sand.u32 $0x4000, s31;
	s1 =	sadd.s32 s1, s30  }
0xba: {  	s0 =	sor.u32 s3, s0;
	s1 =	sshll.u32 s1, $0x11  }
0xbb: {  	s0 =	sor.u32 s1, s0  }
0xbc: {  	s0 =	sadd.s32 $0x8F2B, s0  }
0xbd: {  	[sflag:s0] =	ssyncadd.remote.s32 $0x1  }
0xbe: {  	_ =	sfence.sel $0xFFFF  }
0xbf: {  	[dreg:$0x0] =	wrdreg $0xFFFFFFFF;
	(pc) =	sbr.abs _section_cstart, $3  }
0xc0: {  	[dreg:$0x1] =	wrdreg $0xFFFFFFFF  }
0xc1: {  	_ =	task.clear_ibuf [dreg:s6], $0x2FFFF;
	_ =	strace $0x9FFFFFFF  }
0xc2: {  	(tm) =	ssettm $0x7FFFFFFF  }
0xc3: {  	_ =	shalt  }
tec
execute0_lowered:
.L_overlay_start_1:
0x0: {  	(tag) =	ssettag $0x1  }
0x1: {  	s0 =	srdreg.scid;
	s6 =	rddreg [dreg:$0x0]  }
0x2: {  	s2 =	rddreg [dreg:$0x1];
	s3 =	simm.s32 $0x0;
	s14 =	simm.s32 $0x80  }
0x3: {  	s15 =	simm.s32 $0x5000;
	s16 =	simm.s32 $0x7000;
	s17 =	simm.s32 $0x1  }
0x4: {  	s18 =	simm.s32 $0x2;
	s19 =	simm.s32 $0x2780;
	s20 =	simm.s32 $0x4F00  }
0x5: {  	s21 =	simm.s32 $0x4F80;
	s5 =	sand.u32 $0x1, s0;
	s0 =	stileid.u32  }
0x6: {  	s22 =	simm.s32 $0x0;
	[smem:$0x7FF] =	sst s3;
	s8 =	smul.u32 $0xA0000, s5  }
0x7: {  	s4 =	sadd.s32 $0x20400, s6;
	s1 =	sshll.u32 s5, $0x4;
	s9 =	smul.u32 $0xA000, s0  }
0x8: {  	s26 =	ssub.s32 $0x2, s5;
	s28 =	smul.u32 $0x28000, s0;
	s5 =	sadd.s32 $0x34400, s6  }
0x9: {  	s31 =	sshll.u32 s0, $0x6;
	s1 =	sor.u32 s0, s1;
	s29 =	sshrl.u32 s26, $0x1  }
0xa: {  	s7 =	smul.u32 $0x500, s1;
	s1 =	rddreg [dreg:$0x2];
	_ =	strace $0x8000004A  }
0xb: {  	s25 =	sadd.s32 s9, s8;
	s12 =	ssub.s32 s26, s29;
	s30 =	sshrl.u32 s28, $0x2  }
0xc: {  	s13 =	sadd.s32 s30, s2;
	s10 =	sadd.s32 s7, s6;
	s7 =	sshrl.u32 s25, $0x3  }
0xd: {  	s11 =	sadd.s32 s7, s6;
	s6 =	sor.u32 $0x1C03, s31;
	s7 =	sadd.s32 $0x16400, s10  }
0xe: {  	s8 =	sadd.s32 $0x1E00, s10;
	s10 =	smax.u32 s12, $0x1;
	s12 =	simm.s32 $0x3  }
0xf: {  	s9 =	sadd.s32 $0x35800, s11;
	s11 =	sshrl.u32 s13, $0x3;
	s13 =	simm.s32 $0x2800  }
.LBB2_1:
0x10: {  	[spmem:s11], [sflag:s6] =	dma.local [hbm:s5], $0x1400  }
0x11: {  	_ =	swait.ge [sflag:s12], $0x1400  }
0x12: {  	[sflag:s12] =	ssyncset.done $0x0  }
0x13: {  	[sflag:s12] =	ssyncadd.s32 $0xFFFFEC00  }
0x14: {  	[tilespmem:s3], [sflag:$0x3] =	stream.linear.gather [hbm4b:s7+s3], $0x2800, $0x38;
	[tilespmem:$0x13000] =	vst v63  }
0x15: {  	_ =	swait.ge [sflag:s12], $0x2800  }
0x16: {  	[sflag:s12] =	ssyncset.done $0x0  }
0x17: {  	[sflag:s12] =	ssyncadd.s32 $0xFFFFD800  }
0x18: {  	[tilespmem:s13], [sflag:$0x3] =	stream.linear.gather [hbm4b:s8+s3], $0x2800, $0x38;
	[tilespmem:$0x13000] =	vst v63  }
0x19: {  	_ =	swait.ge [sflag:s12], $0x2800  }
0x1a: {  	[sflag:s12] =	ssyncset.done $0x0  }
0x1b: {  	[sflag:s12] =	ssyncadd.s32 $0xFFFFD800  }
0x1c: {  	[bflag:$0x0] =	sbarrier.arrive $0xFFFF  }
0x1d: {  	[tilespmem:s15], [sflag:$0x1] =	stream.indirect.gather [hbm4b:s4+s14], $0x40, s3, s14, $0xb8;
	[tilespmem:$0x13000] =	vst v63  }
0x1e: {  	s23 =	simm.s32 $0x80  }
0x1f: {  	[tilespmem:s16], [sflag:$0x2] =	stream.indirect.gather [hbm4b:s4+s14], $0x40, s23, s14, $0xb8;
	[tilespmem:$0x13000] =	vst v63  }
0x20: {  	_ =	swait.ge [sflag:s17], $0x2000  }
0x21: {  	[sflag:s17] =	ssyncset.done $0x0  }
0x22: {  	s29 =	simm.s32 $0x2800;
	[sflag:s17] =	ssyncadd.s32 $0xFFFFE000  }
0x23: {  	[spmem:s2] =	stream.indirect.scatter.add.f32 [tilespmem:s15], [sflag:$0x3], $0x40, s29, s14, $0xb8;
	[tilespmem:$0x13000] =	vst v63  }
0x24: {  	_ =	swait.ge [sflag:s12], $0x2000  }
0x25: {  	[sflag:s12] =	ssyncset.done $0x0  }
0x26: {  	s30 =	simm.s32 $0x100;
	[sflag:s12] =	ssyncadd.s32 $0xFFFFE000  }
0x27: {  	[tilespmem:s15], [sflag:$0x1] =	stream.indirect.gather [hbm4b:s4+s14], $0x40, s30, s14, $0xb8;
	[tilespmem:$0x13000] =	vst v63  }
0x28: {  	_ =	swait.ge [sflag:s18], $0x2000  }
0x29: {  	[sflag:s18] =	ssyncset.done $0x0  }
0x2a: {  	s31 =	simm.s32 $0x2880;
	[sflag:s18] =	ssyncadd.s32 $0xFFFFE000  }
0x2b: {  	[spmem:s2] =	stream.indirect.scatter.add.f32 [tilespmem:s16], [sflag:$0x3], $0x40, s31, s14, $0xb8;
	[tilespmem:$0x13000] =	vst v63  }
0x2c: {  	_ =	swait.ge [sflag:s12], $0x2000  }
0x2d: {  	s24 =	simm.s32 $0x800;
	s23 =	simm.s32 $0x100;
	[sflag:s12] =	ssyncset.done $0x0  }
.LBB2_2:
0x2e: {  	s25 =	sadd.s32 $0x80, s23  }
0x2f: {  	[sflag:s12] =	ssyncadd.s32 $0xFFFFE000;
	s26 =	smov.u32 s24;
	s28 =	sadd.s32 $0x400, s24  }
0x30: {  	[tilespmem:s16], [sflag:$0x2] =	stream.indirect.gather [hbm4b:s4+s14], $0x40, s25, s14, $0xb8;
	[tilespmem:$0x13000] =	vst v63  }
0x31: {  	p0 =	sne.s32 s24, $0x9800;
	_ =	swait.ge [sflag:s17], $0x2000  }
0x32: {  	[sflag:s17] =	ssyncset.done $0x0  }
0x33: {  	s24 =	sadd.s32 $0x2800, s23;
	[sflag:s17] =	ssyncadd.s32 $0xFFFFE000  }
0x34: {  	[spmem:s2] =	stream.indirect.scatter.add.f32 [tilespmem:s15], [sflag:$0x3], $0x40, s24, s14, $0xb8;
	[tilespmem:$0x13000] =	vst v63  }
0x35: {  	_ =	swait.ge [sflag:s12], $0x2000  }
0x36: {  	[sflag:s12] =	ssyncset.done $0x0  }
0x37: {  	s24 =	sadd.s32 $0x100, s23;
	[sflag:s12] =	ssyncadd.s32 $0xFFFFE000  }
0x38: {  	[tilespmem:s15], [sflag:$0x1] =	stream.indirect.gather [hbm4b:s4+s14], $0x40, s24, s14, $0xb8;
	[tilespmem:$0x13000] =	vst v63  }
0x39: {  	_ =	swait.ge [sflag:s18], $0x2000  }
.Ltmp0:
0x3a: {  	[sflag:s18] =	ssyncset.done $0x0;
	(pc) =	sbr.rel @p0 .LBB2_2-.Ltmp0, $4  }
0x3b: {  	s23 =	sadd.s32 $0x2880, s23;
	[sflag:s18] =	ssyncadd.s32 $0xFFFFE000  }
0x3c: {  	[spmem:s2] =	stream.indirect.scatter.add.f32 [tilespmem:s16], [sflag:$0x3], $0x40, s23, s14, $0xb8;
	[tilespmem:$0x13000] =	vst v63  }
0x3d: {  	_ =	swait.ge [sflag:s12], $0x2000  }
0x3e: {  	s24 =	smov.u32 s28;
	s23 =	sshra.s32 s26, $0x2;
	[sflag:s12] =	ssyncset.done $0x0  }
0x3f: {  	s24 =	sadd.s32 $0x80, s23;
	[sflag:s12] =	ssyncadd.s32 $0xFFFFE000  }
0x40: {  	[tilespmem:s16], [sflag:$0x2] =	stream.indirect.gather [hbm4b:s4+s14], $0x40, s24, s14, $0xb8;
	[tilespmem:$0x13000] =	vst v63  }
0x41: {  	_ =	swait.ge [sflag:s17], $0x2000  }
0x42: {  	[sflag:s17] =	ssyncset.done $0x0  }
0x43: {  	s29 =	sadd.s32 $0x2800, s23;
	[sflag:s17] =	ssyncadd.s32 $0xFFFFE000  }
0x44: {  	[spmem:s2] =	stream.indirect.scatter.add.f32 [tilespmem:s15], [sflag:$0x3], $0x40, s29, s14, $0xb8;
	[tilespmem:$0x13000] =	vst v63  }
0x45: {  	_ =	swait.ge [sflag:s12], $0x2000  }
0x46: {  	[sflag:s12] =	ssyncset.done $0x0  }
0x47: {  	s30 =	sadd.s32 $0x100, s23;
	[sflag:s12] =	ssyncadd.s32 $0xFFFFE000  }
0x48: {  	[tilespmem:s15], [sflag:$0x1] =	stream.indirect.gather [hbm4b:s4+s14], $0x40, s30, s14, $0xb8;
	[tilespmem:$0x13000] =	vst v63  }
0x49: {  	_ =	swait.ge [sflag:s18], $0x2000  }
0x4a: {  	[sflag:s18] =	ssyncset.done $0x0  }
0x4b: {  	s31 =	sadd.s32 $0x2880, s23;
	[sflag:s18] =	ssyncadd.s32 $0xFFFFE000  }
0x4c: {  	[spmem:s2] =	stream.indirect.scatter.add.f32 [tilespmem:s16], [sflag:$0x3], $0x40, s31, s14, $0xb8;
	[tilespmem:$0x13000] =	vst v63  }
0x4d: {  	_ =	swait.ge [sflag:s12], $0x2000  }
0x4e: {  	[sflag:s12] =	ssyncset.done $0x0  }
0x4f: {  	[sflag:s12] =	ssyncadd.s32 $0xFFFFE000  }
0x50: {  	[tilespmem:s16], [sflag:$0x2] =	stream.indirect.gather [hbm4b:s4+s14], $0x40, s19, s14, $0xb8;
	[tilespmem:$0x13000] =	vst v63  }
0x51: {  	_ =	swait.ge [sflag:s17], $0x2000  }
0x52: {  	[sflag:s17] =	ssyncset.done $0x0  }
0x53: {  	[sflag:s17] =	ssyncadd.s32 $0xFFFFE000  }
0x54: {  	[spmem:s2] =	stream.indirect.scatter.add.f32 [tilespmem:s15], [sflag:$0x3], $0x40, s20, s14, $0xb8;
	[tilespmem:$0x13000] =	vst v63  }
0x55: {  	_ =	swait.ge [sflag:s12], $0x2000  }
0x56: {  	[sflag:s12] =	ssyncset.done $0x0  }
0x57: {  	[sflag:s12] =	ssyncadd.s32 $0xFFFFE000  }
0x58: {  	_ =	swait.ge [sflag:s18], $0x2000  }
0x59: {  	[sflag:s18] =	ssyncset.done $0x0  }
0x5a: {  	[sflag:s18] =	ssyncadd.s32 $0xFFFFE000  }
0x5b: {  	[spmem:s2] =	stream.indirect.scatter.add.f32 [tilespmem:s16], [sflag:$0x3], $0x40, s21, s14, $0xb8;
	[tilespmem:$0x13000] =	vst v63  }
0x5c: {  	_ =	swait.ge [sflag:s12], $0x2000  }
0x5d: {  	s22 =	sadd.s32 $0x1, s22;
	[sflag:s12] =	ssyncset.done $0x0  }
0x5e: {  	p0 =	sne.s32 s22, s10;
	[sflag:s12] =	ssyncadd.s32 $0xFFFFE000  }
.Ltmp1:
0x5f: {  	[bflag:$0x0] =	sbarrier.arrive $0xFFFF;
	(pc) =	sbr.rel @p0 .LBB2_1-.Ltmp1, $4  }
0x60: {  	[hbm:s9], [sflag:s6] =	dma.local [spmem:s11], $0x1400  }
0x61: {  	_ =	swait.ge [sflag:s12], $0x1400  }
0x62: {  	[sflag:s12] =	ssyncset.done $0x0  }
0x63: {  	[sflag:s12] =	ssyncadd.s32 $0xFFFFEC00  }
0x64: {  	_ =	sfence.sel $0x180000  }
0x65: {  	[bflag:$0x0] =	sbarrier.arrive $0xFFFF  }
0x66: {  	p0 =	sne.s32 s0, $0x0;
	_ =	strace $0x9000004A  }
0x67: {  	s0 =	sadd.s32 @!p0 $0x100000, s1;
	[bflag:$0x2] =	sbarrier.arrive $0xFFFF  }
0x68: {  	[sflag:s0] =	ssyncadd.tile.s32 @!p0 $0x1;
	_ =	shalt  }
.Lfunc_end2:
_tile_overlayer_lowered:
.L_overlay_start_2:
0x69: {  	(tag) =	ssettag $0x2  }
0x6a: {  	s0 =	rddreg [dreg:$0x0];
	s2 =	stileid.u32  }
0x6b: {  	s1 =	rddreg [dreg:$0x1];
	p0 =	sne.s32 s2, $0x0  }
0x6c: {  	s3 =	rddreg [dreg:$0x2];
	[bflag:$0x3] =	sbarrier.arrive $0xFFFF;
	s2 =	simm.s32 @!p0 $0x1C03  }
0x6d: {  	[timem:s3], [sflag:s2] =	dma.local @!p0 [hbm:s0], s1  }
0x6e: {  	s0 =	simm.s32 @!p0 $0x3  }
0x6f: {  	_ =	swait.ge @!p0 [sflag:s0], s1  }
0x70: {  	s1 =	ssub.s32 @!p0 $0x0, s1;
	[sflag:s0] =	ssyncset.done @!p0 $0x0  }
0x71: {  	[sflag:s0] =	ssyncadd.s32 @!p0 s1  }
0x72: {  	[bflag:$0x3] =	sbarrier.arrive $0xFFFF  }
0x73: {  	_ =	shalt  }

// kernel: kernel.14.cloned.1.call-start
scs
__scs_entry_jumppad:
0x0: {  	(pc) =	sbr.rel $0x88, $3  }
0x1: {  	(tag) =	ssettag $0x0;
	lr =	simm.s32 $0x1  }
0x2: {  	[smem:$0x3F99] =	sst lr;
	_ =	strace $0xD0000000  }
0x3: {  	_ = 	snop  }
0x4: {  	_ = 	snop  }
0x5: {  	_ = 	snop  }
0x6: {  	_ = 	snop  }
0x7: {  	_ = 	snop  }
__scs_overlays_trampoline_lowered:
0x8: {  	[smem:$0x3FA8] =	sst s0  }
0x9: {  	[smem:$0x3FA9] =	sst s1  }
0xa: {  	[smem:$0x3FAA] =	sst s2  }
0xb: {  	[smem:$0x3FAB] =	sst s3  }
0xc: {  	[smem:$0x3FAC] =	sst s4  }
0xd: {  	[smem:$0x3FAD] =	sst s5  }
0xe: {  	[smem:$0x3FAE] =	sst s6  }
0xf: {  	[smem:$0x3FAF] =	sst s7  }
0x10: {  	[smem:$0x3FB0] =	sst s8  }
0x11: {  	[smem:$0x3FB1] =	sst s9;
	s0 =	simm.s32 @!p0 $0x0  }
0x12: {  	s1 =	sld [smem:$0x3F97];
	s0 =	simm.s32 @p0 $0x1  }
0x13: {  	[smem:$0x3FB2] =	sst s0;
	s0 =	simm.s32 @!p1 $0x0  }
0x14: {  	s2 =	sld [smem:$0x3F96];
	s0 =	simm.s32 @p1 $0x1  }
0x15: {  	[smem:$0x3FB3] =	sst s0;
	s0 =	simm.s32 @!p2 $0x0  }
0x16: {  	s3 =	sld [smem:$0x3FDB];
	s0 =	simm.s32 @p2 $0x1  }
0x17: {  	s4 =	simm.s32 $0x1BF5;
	[smem:$0x3FB5] =	sst s0  }
0x18: {  	s0 =	sld [smem:$0x3F98];
	_ =	swait.ge [sflag:s4], $0x0  }
0x19: {  	s7 =	sld [smem:$0x3F99]  }
0x1a: {  	s8 =	sadd.s32 $0xFFFFE003, lr  }
0x1b: {  	s9 =	sadd.s32 $0xFFFFFEF7, lr;
	s5 =	simm.s32 $0xFFFFFFFF;
	p2 =	slt.u32 s8, $0xFFFFF086  }
0x1c: {  	p1 =	slt.u32 s9, $0xF7A;
	s5 =	simm.s32 @!p2 $0x0  }
0x1d: {  	s5 =	simm.s32 @p1 $0x1;
	p0 =	seq.s32 s7, s2  }
0x1e: {  	s7 =	smul.u32 @!p0 $0xF7A, s2;
	p2 =	seq.s32 @!p0 s5, $0x0  }
0x1f: {  	s9 =	smul.u32 $0xF7A, s1;
	s8 =	simm.s32 @!p0 $0x1BF5;
	p2 =	por !p2, p0  }
0x20: {  	[sflag:s8] =	ssyncset.s32 @!p0 $0xFFFFF086;
	s6 =	sadd.s32 @!p0 s3, s7;
	s7 =	simm.s32 @!p0 $0x108  }
0x21: {  	s3 =	sadd.s32 s3, s9;
	s6 =	sadd.s32 @!p0 $0x88, s6;
	s7 =	simm.s32 @p2 $0x1082  }
0x22: {  	[simem:s7], [sflag:s8] =	dma.local @!p0 [hbm:s6], $0xF7A  }
0x23: {  	s9 =	sor.u32 $0xD0000000, s2;
	s6 =	simm.s32 $0x108;
	_ =	swait.ge @!p0 [sflag:s8], $0x0  }
0x24: {  	s3 =	sadd.s32 $0x88, s3;
	s6 =	simm.s32 @!p1 $0x1082;
	[sflag:s4] =	ssyncset.s32 $0xFFFFF086  }
0x25: {  	[simem:s6], [sflag:s4] =	dma.local [hbm:s3], $0xF7A  }
0x26: {  	[smem:$0x3F99] =	sst s1;
	(tag) =	ssettag s2;
	_ =	strace s9  }
0x27: {  	s1 =	sld [smem:$0x3FA9]  }
0x28: {  	s2 =	sld [smem:$0x3FAA]  }
0x29: {  	s4 =	sld [smem:$0x3FAC]  }
0x2a: {  	p0 =	seq.s32 s5, $0x0;
	s5 =	sld [smem:$0x3FAD]  }
0x2b: {  	s6 =	sld [smem:$0x3FAE]  }
0x2c: {  	s7 =	sld [smem:$0x3FAF]  }
0x2d: {  	s3 =	simm.s32 $0x108;
	s8 =	sld [smem:$0x3FB0]  }
0x2e: {  	s3 =	simm.s32 @!p0 $0x1082;
	s9 =	sld [smem:$0x3FB1]  }
0x2f: {  	lr =	sadd.s32 s0, s3;
	s0 =	sld [smem:$0x3FA8]  }
0x30: {  	s3 =	sld [smem:$0x3FAB]  }
0x31: {  	[smem:$0x3FB4] =	sst s10  }
0x32: {  	s10 =	sld [smem:$0x3FB2];
	_ =	sdelay $0x3  }
0x33: {  	p0 =	seq.s32 s10, $0x1;
	s10 =	sld [smem:$0x3FB4];
	_ =	sdelay $0x3  }
0x34: {  	[smem:$0x3FB4] =	sst s10  }
0x35: {  	s10 =	sld [smem:$0x3FB3];
	_ =	sdelay $0x3  }
0x36: {  	p1 =	seq.s32 s10, $0x1;
	s10 =	sld [smem:$0x3FB4];
	_ =	sdelay $0x3  }
0x37: {  	[smem:$0x3FB4] =	sst s10  }
0x38: {  	s10 =	sld [smem:$0x3FB5]  }
0x39: {  	_ = 	snop;
	(pc) =	sbr.ind lr, $3  }
0x3a: {  	_ = 	snop  }
0x3b: {  	_ = 	snop  }
0x3c: {  	p2 =	seq.s32 s10, $0x1;
	s10 =	sld [smem:$0x3FB4]  }
0x3d: {  	_ =	shalt  }
0x3e: {  	_ =	shalt  }
0x3f: {  	_ =	shalt  }
0x40: {  	_ =	shalt  }
0x41: {  	_ =	shalt  }
0x42: {  	_ =	shalt  }
0x43: {  	_ =	shalt  }
0x44: {  	_ =	shalt  }
0x45: {  	_ =	shalt  }
0x46: {  	_ =	shalt  }
0x47: {  	_ =	shalt  }
0x48: {  	_ =	shalt  }
0x49: {  	_ =	shalt  }
0x4a: {  	_ =	shalt  }
0x4b: {  	_ =	shalt  }
0x4c: {  	_ =	shalt  }
0x4d: {  	_ =	shalt  }
0x4e: {  	_ =	shalt  }
0x4f: {  	_ =	shalt  }
0x50: {  	_ =	shalt  }
0x51: {  	_ =	shalt  }
0x52: {  	_ =	shalt  }
0x53: {  	_ =	shalt  }
0x54: {  	_ =	shalt  }
0x55: {  	_ =	shalt  }
0x56: {  	_ =	shalt  }
0x57: {  	_ =	shalt  }
0x58: {  	_ =	shalt  }
0x59: {  	_ =	shalt  }
0x5a: {  	_ =	shalt  }
0x5b: {  	_ =	shalt  }
0x5c: {  	_ =	shalt  }
0x5d: {  	_ =	shalt  }
0x5e: {  	_ =	shalt  }
0x5f: {  	_ =	shalt  }
0x60: {  	_ =	shalt  }
0x61: {  	_ =	shalt  }
0x62: {  	_ =	shalt  }
0x63: {  	_ =	shalt  }
0x64: {  	_ =	shalt  }
0x65: {  	_ =	shalt  }
0x66: {  	_ =	shalt  }
0x67: {  	_ =	shalt  }
0x68: {  	_ =	shalt  }
0x69: {  	_ =	shalt  }
0x6a: {  	_ =	shalt  }
0x6b: {  	_ =	shalt  }
0x6c: {  	_ =	shalt  }
0x6d: {  	_ =	shalt  }
0x6e: {  	_ =	shalt  }
0x6f: {  	_ =	shalt  }
0x70: {  	_ =	shalt  }
0x71: {  	_ =	shalt  }
0x72: {  	_ =	shalt  }
0x73: {  	_ =	shalt  }
0x74: {  	_ =	shalt  }
0x75: {  	_ =	shalt  }
0x76: {  	_ =	shalt  }
0x77: {  	_ =	shalt  }
0x78: {  	_ =	shalt  }
0x79: {  	_ =	shalt  }
0x7a: {  	_ =	shalt  }
0x7b: {  	_ =	shalt  }
0x7c: {  	_ =	shalt  }
0x7d: {  	_ =	shalt  }
0x7e: {  	_ =	shalt  }
0x7f: {  	_ =	shalt  }
0x80: {  	_ =	shalt  }
0x81: {  	_ =	shalt  }
0x82: {  	_ =	shalt  }
0x83: {  	_ =	shalt  }
0x84: {  	_ =	shalt  }
0x85: {  	_ =	shalt  }
0x86: {  	_ =	shalt  }
0x87: {  	_ =	shalt  }
.Lfunc_end0:
.L_simem_size_0:
called_computation.2_lowered:
.L_overlay_start_0:
0x88: {  	s2 =	sld [smem:$0x3FD9]  }
0x89: {  	s3 =	sld [smem:$0x3FFE];
	_ =	sdelay $0x1  }
0x8a: {  	s1 =	srdreg.scid  }
0x8b: {  	s0 =	sand.u32 $0x1, s1  }
0x8c: {  	s16 =	sshll.u32 s0, $0xA;
	s2 =	sadd.s32 s3, s2  }
0x8d: {  	s2 =	sadd.s32 s2, s16  }
0x8e: {  	[smem:$0x3FC0] =	sst s2  }
0x8f: {  	_ = 	snop  }
0x90: {  	(tm) =	ssettm $0x1  }
0x91: {  	s17 =	sld [smem:$0x3FFB];
	_ =	sdelay $0x3  }
0x92: {  	_ =	strace s17  }
0x93: {  	s2 =	sld [smem:$0x3FFC];
	_ =	sdelay $0x3  }
0x94: {  	_ =	strace s2  }
0x95: {  	s2 =	sld [smem:$0x3FFD];
	_ =	sdelay $0x3  }
0x96: {  	_ =	strace s2  }
0x97: {  	_ =	strace $0x8FFFFFFF  }
0x98: {  	s18 =	sld [smem:$0x3FDB];
	_ =	sdelay $0x1  }
0x99: {  	s19 =	simm.s32 $_scs_section_size  }
0x9a: {  	s4 =	simm.s32 $_size__tile_overlayer_lowered;
	s5 =	simm.s32 $_tile_overlayer_lowered  }
0x9b: {  	s22 =	simm.s32 $0x1BFF;
	s21 =	sshll.u32 s5, $0x1;
	s2 =	sadd.s32 s19, s18  }
0x9c: {  	s6 =	simm.s32 $0x0;
	s20 =	sshll.u32 s4, $0x1;
	s4 =	sadd.s32 s21, s2  }
0x9d: {  	[timem:s6], [sflag:s22] =	dma.local [hbm:s4], s20  }
0x9e: {  	_ =	swait.ge [sflag:s22], s20  }
0x9f: {  	s3 =	ssub.s32 $0x0, s20;
	[sflag:s22] =	ssyncset.done $0x0  }
0xa0: {  	[sflag:s22] =	ssyncadd.s32 s3;
	_ =	sdelay $0x1  }
0xa1: {  	s23 =	simm.s32 $0x1B8B  }
0xa2: {  	_ =	swait.ge [sflag:s23], $0x1  }
0xa3: {  	[sflag:s23] =	ssyncset.done $0x0  }
0xa4: {  	s25 =	simm.s32 $0x1B8E;
	s24 =	sld [smem:$0x3FFE];
	[sflag:s23] =	ssyncadd.s32 $0xFFFFFFFF  }
0xa5: {  	s26 =	simm.s32 $execute0_lowered;
	[smem:$0x3FD2] =	sst s25  }
0xa6: {  	s4 =	sshll.u32 s26, $0x1;
	_ =	strace $0x8000004C;
	[dreg:$0x1] =	wrdreg $0xFFFFFFFF  }
0xa7: {  	s28 =	simm.s32 $_size_execute0_lowered;
	s2 =	sadd.s32 s2, s4;
	[dreg:$0x0] =	wrdreg $0x0  }
0xa8: {  	s4 =	sshll.u32 s28, $0x1;
	[dreg:$0x2] =	wrdreg s2  }
0xa9: {  	[dreg:$0x3] =	wrdreg s4  }
0xaa: {  	[dreg:$0x4] =	wrdreg $0xC0  }
0xab: {  	_ =	task [dreg:s6], $0x5FFFF  }
0xac: {  	[dreg:$0x1] =	wrdreg $0xFFFFFFFF  }
0xad: {  	[dreg:$0x0] =	wrdreg $0x60  }
0xae: {  	[dreg:$0x2] =	wrdreg s24  }
0xaf: {  	[dreg:$0x3] =	wrdreg $0x9  }
0xb0: {  	_ =	task.clear_ibuf [dreg:s6], $0x4FFFF;
	_ =	strace $0x9000004C  }
0xb1: {  	s29 =	simm.s32 $0x9;
	_ =	strace $0x8000004E  }
0xb2: {  	_ =	swait.ge [sflag:s29], $0x1  }
0xb3: {  	[sflag:s29] =	ssyncadd.s32 $0xFFFFFFFF  }
0xb4: {  	_ =	strace $0x9000004E  }
0xb5: {  	_ =	sfence  }
0xb6: {  	s30 =	sld [smem:$0x0];
	_ =	sdelay $0x2  }
0xb7: {  	s31 =	sshll.u32 s1, $0xD;
	s1 =	sshrl.u32 s1, $0x2  }
0xb8: {  	s3 =	sand.u32 $0x4000, s31;
	s1 =	sadd.s32 s1, s30  }
0xb9: {  	s0 =	sor.u32 s3, s0;
	s1 =	sshll.u32 s1, $0x11  }
0xba: {  	s0 =	sor.u32 s1, s0  }
0xbb: {  	s0 =	sadd.s32 $0x8F2B, s0  }
0xbc: {  	[sflag:s0] =	ssyncadd.remote.s32 $0x1  }
0xbd: {  	_ =	sfence.sel $0xFFFF  }
0xbe: {  	[dreg:$0x0] =	wrdreg $0xFFFFFFFF;
	(pc) =	sbr.abs _section_cstart, $3  }
0xbf: {  	[dreg:$0x1] =	wrdreg $0xFFFFFFFF  }
0xc0: {  	_ =	task.clear_ibuf [dreg:s6], $0x2FFFF;
	_ =	strace $0x9FFFFFFF  }
0xc1: {  	(tm) =	ssettm $0x7FFFFFFF  }
tec
execute0_lowered:
.L_overlay_start_1:
0x0: {  	(tag) =	ssettag $0x1  }
0x1: {  	s5 =	rddreg [dreg:$0x0]  }
0x2: {  	s1 =	srdreg.scid;
	s0 =	rddreg [dreg:$0x1];
	s2 =	simm.s32 $0x0  }
0x3: {  	s11 =	simm.s32 $0x2800;
	s12 =	simm.s32 $0x5000;
	s4 =	sand.u32 $0x1, s1  }
0x4: {  	s13 =	simm.s32 $0x0;
	s1 =	stileid.u32;
	s6 =	smul.u32 $0x28000, s4  }
0x5: {  	[smem:$0x7FF] =	sst s2;
	s3 =	sshll.u32 s4, $0x4;
	s7 =	smul.u32 $0x2800, s1  }
0x6: {  	_ =	strace $0x8000004D;
	s31 =	ssub.s32 $0x2, s4;
	s3 =	sor.u32 s1, s3  }
0x7: {  	s4 =	sadd.s32 $0xBE00, s5;
	s8 =	smul.u32 $0x500, s3;
	s6 =	sadd.s32 s7, s6  }
0x8: {  	s9 =	sshrl.u32 s31, $0x1;
	s3 =	sadd.s32 $0xC400, s5;
	s6 =	sshrl.u32 s6, $0x3  }
0x9: {  	s9 =	ssub.s32 s31, s9;
	s8 =	sadd.s32 s8, s5;
	s10 =	sadd.s32 s6, s5  }
0xa: {  	s5 =	sadd.s32 $0x16400, s8;
	s6 =	sadd.s32 $0x1E00, s8;
	s7 =	sadd.s32 $0x20400, s10  }
0xb: {  	s8 =	smax.u32 s9, $0x1;
	s9 =	simm.s32 $0x7800;
	s10 =	simm.s32 $0x1  }
.LBB2_1:
0xc: {  	[tilespmem:s9], [sflag:$0x1] =	stream.linear.gather [hbm4b:s4+s2], $0x2800, $0x38;
	[tilespmem:$0xA000] =	vst v63  }
0xd: {  	_ =	swait.ge [sflag:s10], $0x2800  }
0xe: {  	[sflag:s10] =	ssyncset.done $0x0  }
0xf: {  	[sflag:s10] =	ssyncadd.s32 $0xFFFFD800  }
0x10: {  	[tilespmem:s2], [sflag:$0x1] =	stream.linear.gather [hbm4b:s3+s2], $0x2800, $0x38;
	[tilespmem:$0xA000] =	vst v63  }
0x11: {  	_ =	swait.ge [sflag:s10], $0x2800  }
0x12: {  	[sflag:s10] =	ssyncset.done $0x0  }
0x13: {  	[sflag:s10] =	ssyncadd.s32 $0xFFFFD800  }
0x14: {  	[tilespmem:s11], [sflag:$0x1] =	stream.linear.gather [hbm4b:s5+s2], $0x2800, $0x38;
	[tilespmem:$0xA000] =	vst v63  }
0x15: {  	_ =	swait.ge [sflag:s10], $0x2800  }
0x16: {  	[sflag:s10] =	ssyncset.done $0x0  }
0x17: {  	[sflag:s10] =	ssyncadd.s32 $0xFFFFD800  }
0x18: {  	[tilespmem:s12], [sflag:$0x1] =	stream.linear.gather [hbm4b:s6+s2], $0x2800, $0x38;
	[tilespmem:$0xA000] =	vst v63  }
0x19: {  	_ =	swait.ge [sflag:s10], $0x2800  }
0x1a: {  	[sflag:s10] =	ssyncset.done $0x0  }
0x1b: {  	s15 =	simm.s32 $0x0;
	s14 =	simm.s32 $0x40;
	[sflag:s10] =	ssyncadd.s32 $0xFFFFD800  }
.LBB2_2:
0x1c: {  	p0 =	sne.s32 s14, $0x9FC0;
	v0 =	vld [tilespmem:s15+$0x2800];
	_ =	sdelay $0x5  }
0x1d: {  	v1 =	vld [tilespmem:s15+$0x5000];
	_ =	sdelay $0x1  }
0x1e: {  	v0 =	vld.idx.msk [tilespmem:v0+s2+$0x0], $0xffff;
	_ =	sdelay $0x1  }
.Ltmp0:
0x1f: {  	(pc) =	sbr.rel @p0 .LBB2_2-.Ltmp0, $2  }
0x20: {  	_ =	sdelay $0x2  }
0x21: {  	s15 =	sshra.s32 s14, $0x2;
	s14 =	sadd.s32 $0x40, s14;
	[tilespmem:v1+s9+$0x0] =	vst.idx.add.f32.msk $0xffff, v0  }
0x22: {  	v0 =	vld [tilespmem:s15+$0x2800];
	_ =	sdelay $0x4  }
0x23: {  	v1 =	vld [tilespmem:s15+$0x5000];
	_ =	sdelay $0x2  }
0x24: {  	v0 =	vld.idx.msk [tilespmem:v0+s2+$0x0], $0xffff;
	_ =	sdelay $0x2  }
0x25: {  	s13 =	sadd.s32 $0x1, s13  }
0x26: {  	p0 =	sne.s32 s13, s8  }
.Ltmp1:
0x27: {  	[tilespmem:v1+s9+$0x0] =	vst.idx.add.f32.msk $0xffff, v0;
	(pc) =	sbr.rel @p0 .LBB2_1-.Ltmp1, $4  }
0x28: {  	[hbm4b:s7+s2] =	stream.linear.scatter [tilespmem:s9], [sflag:$0x1], $0x2800, $0x38;
	[tilespmem:$0xA000] =	vst v63  }
0x29: {  	_ =	swait.ge [sflag:s10], $0x2800  }
0x2a: {  	[sflag:s10] =	ssyncset.done $0x0  }
0x2b: {  	[sflag:s10] =	ssyncadd.s32 $0xFFFFD800  }
0x2c: {  	_ =	sfence.sel $0x180000  }
0x2d: {  	[bflag:$0x0] =	sbarrier.arrive $0xFFFF  }
0x2e: {  	p0 =	sne.s32 s1, $0x0;
	_ =	strace $0x9000004D  }
0x2f: {  	s0 =	sadd.s32 @!p0 $0x100000, s0;
	[bflag:$0x2] =	sbarrier.arrive $0xFFFF  }
0x30: {  	[sflag:s0] =	ssyncadd.tile.s32 @!p0 $0x1;
	_ =	shalt  }
.Lfunc_end2:
_tile_overlayer_lowered:
.L_overlay_start_2:
0x31: {  	(tag) =	ssettag $0x2  }
0x32: {  	s0 =	rddreg [dreg:$0x0];
	s2 =	stileid.u32  }
0x33: {  	s1 =	rddreg [dreg:$0x1];
	p0 =	sne.s32 s2, $0x0  }
0x34: {  	s3 =	rddreg [dreg:$0x2];
	[bflag:$0x3] =	sbarrier.arrive $0xFFFF;
	s2 =	simm.s32 @!p0 $0x1C01  }
0x35: {  	[timem:s3], [sflag:s2] =	dma.local @!p0 [hbm:s0], s1  }
0x36: {  	s0 =	simm.s32 @!p0 $0x1  }
0x37: {  	_ =	swait.ge @!p0 [sflag:s0], s1  }
0x38: {  	s1 =	ssub.s32 @!p0 $0x0, s1;
	[sflag:s0] =	ssyncset.done @!p0 $0x0  }
0x39: {  	[sflag:s0] =	ssyncadd.s32 @!p0 s1  }
0x3a: {  	[bflag:$0x3] =	sbarrier.arrive $0xFFFF  }
0x3b: {  	_ =	shalt  }

// kernel: kernel.8.cloned.1.call-start
scs
__scs_entry_jumppad:
0x0: {  	(pc) =	sbr.rel $0x88, $3  }
0x1: {  	(tag) =	ssettag $0x0;
	lr =	simm.s32 $0x1  }
0x2: {  	[smem:$0x3F99] =	sst lr;
	_ =	strace $0xD0000000  }
0x3: {  	_ = 	snop  }
0x4: {  	_ = 	snop  }
0x5: {  	_ = 	snop  }
0x6: {  	_ = 	snop  }
0x7: {  	_ = 	snop  }
__scs_overlays_trampoline_lowered:
0x8: {  	[smem:$0x3FA8] =	sst s0  }
0x9: {  	[smem:$0x3FA9] =	sst s1  }
0xa: {  	[smem:$0x3FAA] =	sst s2  }
0xb: {  	[smem:$0x3FAB] =	sst s3  }
0xc: {  	[smem:$0x3FAC] =	sst s4  }
0xd: {  	[smem:$0x3FAD] =	sst s5  }
0xe: {  	[smem:$0x3FAE] =	sst s6  }
0xf: {  	[smem:$0x3FAF] =	sst s7  }
0x10: {  	[smem:$0x3FB0] =	sst s8  }
0x11: {  	[smem:$0x3FB1] =	sst s9;
	s0 =	simm.s32 @!p0 $0x0  }
0x12: {  	s1 =	sld [smem:$0x3F97];
	s0 =	simm.s32 @p0 $0x1  }
0x13: {  	[smem:$0x3FB2] =	sst s0;
	s0 =	simm.s32 @!p1 $0x0  }
0x14: {  	s2 =	sld [smem:$0x3F96];
	s0 =	simm.s32 @p1 $0x1  }
0x15: {  	[smem:$0x3FB3] =	sst s0;
	s0 =	simm.s32 @!p2 $0x0  }
0x16: {  	s3 =	sld [smem:$0x3FDB];
	s0 =	simm.s32 @p2 $0x1  }
0x17: {  	s4 =	simm.s32 $0x1BF5;
	[smem:$0x3FB5] =	sst s0  }
0x18: {  	s0 =	sld [smem:$0x3F98];
	_ =	swait.ge [sflag:s4], $0x0  }
0x19: {  	s7 =	sld [smem:$0x3F99]  }
0x1a: {  	s8 =	sadd.s32 $0xFFFFE003, lr  }
0x1b: {  	s9 =	sadd.s32 $0xFFFFFEF7, lr;
	s5 =	simm.s32 $0xFFFFFFFF;
	p2 =	slt.u32 s8, $0xFFFFF086  }
0x1c: {  	p1 =	slt.u32 s9, $0xF7A;
	s5 =	simm.s32 @!p2 $0x0  }
0x1d: {  	s5 =	simm.s32 @p1 $0x1;
	p0 =	seq.s32 s7, s2  }
0x1e: {  	s7 =	smul.u32 @!p0 $0xF7A, s2;
	p2 =	seq.s32 @!p0 s5, $0x0  }
0x1f: {  	s9 =	smul.u32 $0xF7A, s1;
	s8 =	simm.s32 @!p0 $0x1BF5;
	p2 =	por !p2, p0  }
0x20: {  	[sflag:s8] =	ssyncset.s32 @!p0 $0xFFFFF086;
	s6 =	sadd.s32 @!p0 s3, s7;
	s7 =	simm.s32 @!p0 $0x108  }
0x21: {  	s3 =	sadd.s32 s3, s9;
	s6 =	sadd.s32 @!p0 $0x88, s6;
	s7 =	simm.s32 @p2 $0x1082  }
0x22: {  	[simem:s7], [sflag:s8] =	dma.local @!p0 [hbm:s6], $0xF7A  }
0x23: {  	s9 =	sor.u32 $0xD0000000, s2;
	s6 =	simm.s32 $0x108;
	_ =	swait.ge @!p0 [sflag:s8], $0x0  }
0x24: {  	s3 =	sadd.s32 $0x88, s3;
	s6 =	simm.s32 @!p1 $0x1082;
	[sflag:s4] =	ssyncset.s32 $0xFFFFF086  }
0x25: {  	[simem:s6], [sflag:s4] =	dma.local [hbm:s3], $0xF7A  }
0x26: {  	[smem:$0x3F99] =	sst s1;
	(tag) =	ssettag s2;
	_ =	strace s9  }
0x27: {  	s1 =	sld [smem:$0x3FA9]  }
0x28: {  	s2 =	sld [smem:$0x3FAA]  }
0x29: {  	s4 =	sld [smem:$0x3FAC]  }
0x2a: {  	p0 =	seq.s32 s5, $0x0;
	s5 =	sld [smem:$0x3FAD]  }
0x2b: {  	s6 =	sld [smem:$0x3FAE]  }
0x2c: {  	s7 =	sld [smem:$0x3FAF]  }
0x2d: {  	s3 =	simm.s32 $0x108;
	s8 =	sld [smem:$0x3FB0]  }
0x2e: {  	s3 =	simm.s32 @!p0 $0x1082;
	s9 =	sld [smem:$0x3FB1]  }
0x2f: {  	lr =	sadd.s32 s0, s3;
	s0 =	sld [smem:$0x3FA8]  }
0x30: {  	s3 =	sld [smem:$0x3FAB]  }
0x31: {  	[smem:$0x3FB4] =	sst s10  }
0x32: {  	s10 =	sld [smem:$0x3FB2];
	_ =	sdelay $0x3  }
0x33: {  	p0 =	seq.s32 s10, $0x1;
	s10 =	sld [smem:$0x3FB4];
	_ =	sdelay $0x3  }
0x34: {  	[smem:$0x3FB4] =	sst s10  }
0x35: {  	s10 =	sld [smem:$0x3FB3];
	_ =	sdelay $0x3  }
0x36: {  	p1 =	seq.s32 s10, $0x1;
	s10 =	sld [smem:$0x3FB4];
	_ =	sdelay $0x3  }
0x37: {  	[smem:$0x3FB4] =	sst s10  }
0x38: {  	s10 =	sld [smem:$0x3FB5]  }
0x39: {  	_ = 	snop;
	(pc) =	sbr.ind lr, $3  }
0x3a: {  	_ = 	snop  }
0x3b: {  	_ = 	snop  }
0x3c: {  	p2 =	seq.s32 s10, $0x1;
	s10 =	sld [smem:$0x3FB4]  }
0x3d: {  	_ =	shalt  }
0x3e: {  	_ =	shalt  }
0x3f: {  	_ =	shalt  }
0x40: {  	_ =	shalt  }
0x41: {  	_ =	shalt  }
0x42: {  	_ =	shalt  }
0x43: {  	_ =	shalt  }
0x44: {  	_ =	shalt  }
0x45: {  	_ =	shalt  }
0x46: {  	_ =	shalt  }
0x47: {  	_ =	shalt  }
0x48: {  	_ =	shalt  }
0x49: {  	_ =	shalt  }
0x4a: {  	_ =	shalt  }
0x4b: {  	_ =	shalt  }
0x4c: {  	_ =	shalt  }
0x4d: {  	_ =	shalt  }
0x4e: {  	_ =	shalt  }
0x4f: {  	_ =	shalt  }
0x50: {  	_ =	shalt  }
0x51: {  	_ =	shalt  }
0x52: {  	_ =	shalt  }
0x53: {  	_ =	shalt  }
0x54: {  	_ =	shalt  }
0x55: {  	_ =	shalt  }
0x56: {  	_ =	shalt  }
0x57: {  	_ =	shalt  }
0x58: {  	_ =	shalt  }
0x59: {  	_ =	shalt  }
0x5a: {  	_ =	shalt  }
0x5b: {  	_ =	shalt  }
0x5c: {  	_ =	shalt  }
0x5d: {  	_ =	shalt  }
0x5e: {  	_ =	shalt  }
0x5f: {  	_ =	shalt  }
0x60: {  	_ =	shalt  }
0x61: {  	_ =	shalt  }
0x62: {  	_ =	shalt  }
0x63: {  	_ =	shalt  }
0x64: {  	_ =	shalt  }
0x65: {  	_ =	shalt  }
0x66: {  	_ =	shalt  }
0x67: {  	_ =	shalt  }
0x68: {  	_ =	shalt  }
0x69: {  	_ =	shalt  }
0x6a: {  	_ =	shalt  }
0x6b: {  	_ =	shalt  }
0x6c: {  	_ =	shalt  }
0x6d: {  	_ =	shalt  }
0x6e: {  	_ =	shalt  }
0x6f: {  	_ =	shalt  }
0x70: {  	_ =	shalt  }
0x71: {  	_ =	shalt  }
0x72: {  	_ =	shalt  }
0x73: {  	_ =	shalt  }
0x74: {  	_ =	shalt  }
0x75: {  	_ =	shalt  }
0x76: {  	_ =	shalt  }
0x77: {  	_ =	shalt  }
0x78: {  	_ =	shalt  }
0x79: {  	_ =	shalt  }
0x7a: {  	_ =	shalt  }
0x7b: {  	_ =	shalt  }
0x7c: {  	_ =	shalt  }
0x7d: {  	_ =	shalt  }
0x7e: {  	_ =	shalt  }
0x7f: {  	_ =	shalt  }
0x80: {  	_ =	shalt  }
0x81: {  	_ =	shalt  }
0x82: {  	_ =	shalt  }
0x83: {  	_ =	shalt  }
0x84: {  	_ =	shalt  }
0x85: {  	_ =	shalt  }
0x86: {  	_ =	shalt  }
0x87: {  	_ =	shalt  }
.Lfunc_end0:
.L_simem_size_0:
called_computation_lowered:
.L_overlay_start_0:
0x88: {  	s2 =	sld [smem:$0x3FD9]  }
0x89: {  	s3 =	sld [smem:$0x3FFE];
	_ =	sdelay $0x1  }
0x8a: {  	s1 =	srdreg.scid  }
0x8b: {  	s0 =	sand.u32 $0x1, s1  }
0x8c: {  	s16 =	sshll.u32 s0, $0xA;
	s2 =	sadd.s32 s3, s2  }
0x8d: {  	s2 =	sadd.s32 s2, s16  }
0x8e: {  	[smem:$0x3FC0] =	sst s2  }
0x8f: {  	_ = 	snop  }
0x90: {  	(tm) =	ssettm $0x1  }
0x91: {  	s17 =	sld [smem:$0x3FFB];
	_ =	sdelay $0x3  }
0x92: {  	_ =	strace s17  }
0x93: {  	s2 =	sld [smem:$0x3FFC];
	_ =	sdelay $0x3  }
0x94: {  	_ =	strace s2  }
0x95: {  	s2 =	sld [smem:$0x3FFD];
	_ =	sdelay $0x3  }
0x96: {  	_ =	strace s2  }
0x97: {  	_ =	strace $0x8FFFFFFF  }
0x98: {  	s18 =	sld [smem:$0x3FDB];
	_ =	sdelay $0x1  }
0x99: {  	s19 =	simm.s32 $_scs_section_size  }
0x9a: {  	s4 =	simm.s32 $_size__tile_overlayer_lowered;
	s5 =	simm.s32 $_tile_overlayer_lowered  }
0x9b: {  	s22 =	simm.s32 $0x1BFF;
	s21 =	sshll.u32 s5, $0x1;
	s2 =	sadd.s32 s19, s18  }
0x9c: {  	s6 =	simm.s32 $0x0;
	s20 =	sshll.u32 s4, $0x1;
	s4 =	sadd.s32 s21, s2  }
0x9d: {  	[timem:s6], [sflag:s22] =	dma.local [hbm:s4], s20  }
0x9e: {  	_ =	swait.ge [sflag:s22], s20  }
0x9f: {  	s3 =	ssub.s32 $0x0, s20;
	[sflag:s22] =	ssyncset.done $0x0  }
0xa0: {  	[sflag:s22] =	ssyncadd.s32 s3;
	_ =	sdelay $0x1  }
0xa1: {  	s23 =	simm.s32 $0x1B8B  }
0xa2: {  	_ =	swait.ge [sflag:s23], $0x1  }
0xa3: {  	[sflag:s23] =	ssyncset.done $0x0  }
0xa4: {  	s25 =	simm.s32 $0x1B8E;
	s24 =	sld [smem:$0x3FFE];
	[sflag:s23] =	ssyncadd.s32 $0xFFFFFFFF  }
0xa5: {  	s26 =	simm.s32 $execute0_lowered;
	[smem:$0x3FD2] =	sst s25  }
0xa6: {  	s4 =	sshll.u32 s26, $0x1;
	_ =	strace $0x80000046;
	[dreg:$0x1] =	wrdreg $0xFFFFFFFF  }
0xa7: {  	s28 =	simm.s32 $_size_execute0_lowered;
	s2 =	sadd.s32 s2, s4;
	[dreg:$0x0] =	wrdreg $0x0  }
0xa8: {  	s4 =	sshll.u32 s28, $0x1;
	[dreg:$0x2] =	wrdreg s2  }
0xa9: {  	[dreg:$0x3] =	wrdreg s4  }
0xaa: {  	[dreg:$0x4] =	wrdreg $0xC0  }
0xab: {  	_ =	task [dreg:s6], $0x5FFFF  }
0xac: {  	[dreg:$0x1] =	wrdreg $0xFFFFFFFF  }
0xad: {  	[dreg:$0x0] =	wrdreg $0x60  }
0xae: {  	[dreg:$0x2] =	wrdreg s24  }
0xaf: {  	[dreg:$0x3] =	wrdreg $0x9  }
0xb0: {  	_ =	task.clear_ibuf [dreg:s6], $0x4FFFF;
	_ =	strace $0x90000046  }
0xb1: {  	s29 =	simm.s32 $0x9;
	_ =	strace $0x80000048  }
0xb2: {  	_ =	swait.ge [sflag:s29], $0x1  }
0xb3: {  	[sflag:s29] =	ssyncadd.s32 $0xFFFFFFFF  }
0xb4: {  	_ =	strace $0x90000048  }
0xb5: {  	_ =	sfence  }
0xb6: {  	s30 =	sld [smem:$0x0];
	_ =	sdelay $0x2  }
0xb7: {  	s31 =	sshll.u32 s1, $0xD;
	s1 =	sshrl.u32 s1, $0x2  }
0xb8: {  	s3 =	sand.u32 $0x4000, s31;
	s1 =	sadd.s32 s1, s30  }
0xb9: {  	s0 =	sor.u32 s3, s0;
	s1 =	sshll.u32 s1, $0x11  }
0xba: {  	s0 =	sor.u32 s1, s0  }
0xbb: {  	s0 =	sadd.s32 $0x8F2B, s0  }
0xbc: {  	[sflag:s0] =	ssyncadd.remote.s32 $0x1  }
0xbd: {  	_ =	sfence.sel $0xFFFF  }
0xbe: {  	[dreg:$0x0] =	wrdreg $0xFFFFFFFF;
	(pc) =	sbr.abs _section_cstart, $3  }
0xbf: {  	[dreg:$0x1] =	wrdreg $0xFFFFFFFF  }
0xc0: {  	_ =	task.clear_ibuf [dreg:s6], $0x2FFFF;
	_ =	strace $0x9FFFFFFF  }
0xc1: {  	(tm) =	ssettm $0x7FFFFFFF  }
tec
execute0_lowered:
.L_overlay_start_1:
0x0: {  	(tag) =	ssettag $0x1  }
0x1: {  	s4 =	rddreg [dreg:$0x0]  }
0x2: {  	s1 =	srdreg.scid;
	s0 =	rddreg [dreg:$0x1]  }
0x3: {  	s2 =	simm.s32 $0x0;
	s9 =	simm.s32 $0x0;
	s3 =	sand.u32 $0x1, s1  }
0x4: {  	s1 =	stileid.u32;
	s5 =	sshll.u32 s3, $0x4;
	s6 =	smul.u32 $0x28000, s3  }
0x5: {  	[smem:$0x7FF] =	sst s2;
	s7 =	smul.u32 $0x2800, s1;
	s5 =	sor.u32 s1, s5  }
0x6: {  	_ =	strace $0x80000047;
	s31 =	ssub.s32 $0x2, s3;
	s5 =	smul.u32 $0x500, s5  }
0x7: {  	s3 =	sadd.s32 $0xBE00, s4;
	s8 =	sshrl.u32 s31, $0x1;
	s6 =	sadd.s32 s7, s6  }
0x8: {  	s7 =	ssub.s32 s31, s8;
	s6 =	sshrl.u32 s6, $0x3;
	s5 =	sadd.s32 s5, s4  }
0x9: {  	s8 =	simm.s32 $0x1;
	s6 =	sadd.s32 s6, s4;
	s4 =	sadd.s32 $0x1E00, s5  }
0xa: {  	v0 =	vimm.f32 $1.000000000e+00;
	s5 =	sadd.s32 $0xC400, s6;
	s6 =	smax.u32 s7, $0x1;
	s7 =	simm.s32 $0x2800  }
.LBB2_1:
0xb: {  	[tilespmem:s7], [sflag:$0x1] =	stream.linear.gather [hbm4b:s3+s2], $0x2800, $0x38;
	[tilespmem:$0x5000] =	vst v63  }
0xc: {  	_ =	swait.ge [sflag:s8], $0x2800  }
0xd: {  	[sflag:s8] =	ssyncset.done $0x0  }
0xe: {  	[sflag:s8] =	ssyncadd.s32 $0xFFFFD800  }
0xf: {  	[tilespmem:s2], [sflag:$0x1] =	stream.linear.gather [hbm4b:s4+s2], $0x2800, $0x38;
	[tilespmem:$0x5000] =	vst v63  }
0x10: {  	_ =	swait.ge [sflag:s8], $0x2800  }
0x11: {  	[sflag:s8] =	ssyncset.done $0x0  }
0x12: {  	s11 =	simm.s32 $0x0;
	s10 =	simm.s32 $0x40;
	[sflag:s8] =	ssyncadd.s32 $0xFFFFD800  }
.LBB2_2:
0x13: {  	p0 =	sne.s32 s10, $0x9FC0;
	v1 =	vld [tilespmem:s11+$0x0];
	_ =	sdelay $0x3  }
.Ltmp0:
0x14: {  	(pc) =	sbr.rel @p0 .LBB2_2-.Ltmp0, $2  }
0x15: {  	_ =	sdelay $0x2  }
0x16: {  	s11 =	sshra.s32 s10, $0x2;
	s10 =	sadd.s32 $0x40, s10;
	[tilespmem:v1+s7+$0x0] =	vst.idx.add.f32.msk $0xffff, v0  }
0x17: {  	v1 =	vld [tilespmem:s11+$0x0];
	_ =	sdelay $0x5  }
0x18: {  	s9 =	sadd.s32 $0x1, s9  }
0x19: {  	p0 =	sne.s32 s9, s6  }
.Ltmp1:
0x1a: {  	[tilespmem:v1+s7+$0x0] =	vst.idx.add.f32.msk $0xffff, v0;
	(pc) =	sbr.rel @p0 .LBB2_1-.Ltmp1, $4  }
0x1b: {  	[hbm4b:s5+s2] =	stream.linear.scatter [tilespmem:s7], [sflag:$0x1], $0x2800, $0x38;
	[tilespmem:$0x5000] =	vst v63  }
0x1c: {  	_ =	swait.ge [sflag:s8], $0x2800  }
0x1d: {  	[sflag:s8] =	ssyncset.done $0x0  }
0x1e: {  	[sflag:s8] =	ssyncadd.s32 $0xFFFFD800  }
0x1f: {  	_ =	sfence.sel $0x180000  }
0x20: {  	[bflag:$0x0] =	sbarrier.arrive $0xFFFF  }
0x21: {  	p0 =	sne.s32 s1, $0x0;
	_ =	strace $0x90000047  }
0x22: {  	s0 =	sadd.s32 @!p0 $0x100000, s0;
	[bflag:$0x2] =	sbarrier.arrive $0xFFFF  }
0x23: {  	[sflag:s0] =	ssyncadd.tile.s32 @!p0 $0x1;
	_ =	shalt  }
.Lfunc_end2:
_tile_overlayer_lowered:
.L_overlay_start_2:
0x24: {  	(tag) =	ssettag $0x2  }
0x25: {  	s0 =	rddreg [dreg:$0x0];
	s2 =	stileid.u32  }
0x26: {  	s1 =	rddreg [dreg:$0x1];
	p0 =	sne.s32 s2, $0x0  }
0x27: {  	s3 =	rddreg [dreg:$0x2];
	[bflag:$0x3] =	sbarrier.arrive $0xFFFF;
	s2 =	simm.s32 @!p0 $0x1C01  }
0x28: {  	[timem:s3], [sflag:s2] =	dma.local @!p0 [hbm:s0], s1  }
0x29: {  	s0 =	simm.s32 @!p0 $0x1  }
0x2a: {  	_ =	swait.ge @!p0 [sflag:s0], s1  }
0x2b: {  	s1 =	ssub.s32 @!p0 $0x0, s1;
	[sflag:s0] =	ssyncset.done @!p0 $0x0  }
0x2c: {  	[sflag:s0] =	ssyncadd.s32 @!p0 s1  }
0x2d: {  	[bflag:$0x3] =	sbarrier.arrive $0xFFFF  }
0x2e: {  	_ =	shalt  }

</sc_bundles>
